<compile_context>
chip_gen: v7x
topology: tpu7x:2x2x1
jax: 0.10.2.dev20260603
libtpu: 0.0.44.dev20260713+nightly
codegen_flags: <defaults>
</compile_context>

<pallas_src>
import functools

import jax
import jax.numpy as jnp
from jax import lax
from jax.experimental import pallas as pl
from jax.experimental.pallas import tpu as pltpu
from jax.experimental.pallas import tpu_sc as plsc

N_NODES = 10000
NP = 10240
E = 320000
D = 128
G = 64
NC = 2
NS = 16
NW = NC * NS
EPW = E // NW
C = 125
NCH = EPW // C
RPS = NP // NS
BLK = 1024
NBLK = NP // BLK

_mesh = plsc.VectorSubcoreMesh(core_axis_name="c", subcore_axis_name="s")


@functools.partial(
    pl.kernel,
    out_type=jax.ShapeDtypeStruct((NW, NP // 16, 16), jnp.float32),
    mesh=_mesh,
    scratch_types=[
        pltpu.VMEM((EPW,), jnp.int32),
        pltpu.VMEM((NP // 16, 16), jnp.float32),
    ],
    compiler_params=pltpu.CompilerParams(needs_layout_passes=False),
)
def _sc_degree(dst_hbm, out_hbm, didx, hist):
    cid = lax.axis_index("c")
    sid = lax.axis_index("s")
    wid = cid * NS + sid
    pltpu.sync_copy(dst_hbm.at[wid], didx)

    zeros = jnp.zeros((16,), jnp.float32)

    def zinit(i, carry):
        hist[i, :] = zeros
        return carry

    lax.fori_loop(0, NP // 16, zinit, 0)

    ones = jnp.ones((16,), jnp.float32)

    def body(i, carry):
        idx = didx[pl.ds(i * 16, 16)]
        plsc.addupdate_scatter(hist, [idx >> 4, idx & 15], ones)
        return carry

    lax.fori_loop(0, EPW // 16, body, 0)
    pltpu.sync_copy(hist, out_hbm.at[wid])


@functools.partial(
    pl.kernel,
    out_type=jax.ShapeDtypeStruct((NC, NP, D), jnp.float32),
    mesh=_mesh,
    scratch_types=[
        pltpu.VMEM((16, C), jnp.int32),
        pltpu.VMEM((16, C), jnp.int32),
        pltpu.VMEM((C, D), jnp.float32),
        pltpu.VMEM((C, D), jnp.float32),
        pltpu.VMEM_SHARED((NP, D), jnp.float32),
    ],
    compiler_params=pltpu.CompilerParams(needs_layout_passes=False),
)
def _sc_edge_agg(hs_hbm, src_hbm, dst_hbm, zeros_hbm, out_hbm,
                 sblk, dblk, rows0, rows1, acc):
    cid = lax.axis_index("c")
    sid = lax.axis_index("s")
    wid = cid * NS + sid
    pltpu.sync_copy(zeros_hbm, acc.at[pl.ds(sid * RPS, RPS)])
    plsc.subcore_barrier()

    def with_sems(sem0, sem1):
        def outer(b, carry):
            pltpu.sync_copy(src_hbm.at[wid].at[b], sblk)
            pltpu.sync_copy(dst_hbm.at[wid].at[b], dblk)
            pltpu.sync_copy(hs_hbm.at[sblk.at[0]], rows0)

            def inner(jj, c2):
                l0 = jj * 2
                pltpu.async_copy(hs_hbm.at[sblk.at[l0 + 1]], rows1, sem1)
                pltpu.sync_copy(rows0, acc.at[dblk.at[l0]], add=True)
                pltpu.make_async_copy(hs_hbm.at[sblk.at[l0 + 1]], rows1, sem1).wait()

                @pl.when(jj < 7)
                def _():
                    pltpu.async_copy(hs_hbm.at[sblk.at[l0 + 2]], rows0, sem0)

                pltpu.sync_copy(rows1, acc.at[dblk.at[l0 + 1]], add=True)

                @pl.when(jj < 7)
                def _():
                    pltpu.make_async_copy(hs_hbm.at[sblk.at[l0 + 2]], rows0, sem0).wait()

                return c2

            lax.fori_loop(0, 8, inner, 0)
            return carry

        lax.fori_loop(0, NCH // 16, outer, 0)

    pl.run_scoped(with_sems, pltpu.SemaphoreType.DMA, pltpu.SemaphoreType.DMA)
    plsc.subcore_barrier()
    pltpu.sync_copy(acc.at[pl.ds(sid * RPS, RPS)], out_hbm.at[cid].at[pl.ds(sid * RPS, RPS)])


def _mm_body(deg_ref, x_ref, w_ref, hs_ref, dinv_ref):
    total = jnp.sum(deg_ref[...], axis=1, keepdims=True) + 1.0
    dinv = lax.rsqrt(total)
    h = jnp.dot(x_ref[...], w_ref[...], preferred_element_type=jnp.float32)
    hs_ref[...] = h * dinv
    dinv_ref[...] = dinv


def _tc_matmul(deg_t, x_pad, W1):
    return pl.pallas_call(
        _mm_body,
        grid=(NBLK,),
        in_specs=[
            pl.BlockSpec((BLK, NW), lambda i: (i, 0)),
            pl.BlockSpec((BLK, D), lambda i: (i, 0)),
            pl.BlockSpec((D, D), lambda i: (0, 0)),
        ],
        out_specs=[
            pl.BlockSpec((BLK, D), lambda i: (i, 0)),
            pl.BlockSpec((BLK, 1), lambda i: (i, 0)),
        ],
        out_shape=[
            jax.ShapeDtypeStruct((NP, D), jnp.float32),
            jax.ShapeDtypeStruct((NP, 1), jnp.float32),
        ],
    )(deg_t, x_pad, W1)


def _head_body(accA, accB, hs, dinv, brow, b1r, fcw, fcbr, out, sums, counts):
    i = pl.program_id(0)

    @pl.when(i == 0)
    def _():
        sums[...] = jnp.zeros_like(sums)
        counts[...] = jnp.zeros_like(counts)

    r = dinv[...] * (accA[...] + accB[...] + hs[...]) + b1r[...]
    r = jnp.maximum(r, 0.0)
    iota = lax.broadcasted_iota(jnp.int32, (G, BLK), 0)
    oh = (jnp.broadcast_to(brow[...], (G, BLK)) == iota).astype(jnp.float32)
    sums[...] += jnp.dot(oh, r, preferred_element_type=jnp.float32)
    counts[...] += jnp.sum(oh, axis=1, keepdims=True)

    @pl.when(i == NBLK - 1)
    def _():
        g = sums[...] / jnp.maximum(counts[...], 1.0)
        logits = jnp.dot(g, fcw[...], preferred_element_type=jnp.float32) + fcbr[...]
        m = jnp.max(logits, axis=1, keepdims=True)
        lse = m + jnp.log(jnp.sum(jnp.exp(logits - m), axis=1, keepdims=True))
        out[...] = logits - lse


def _tc_head(accA, accB, hs, dinv, batch_row, b1r, fcW, fcbr):
    return pl.pallas_call(
        _head_body,
        grid=(NBLK,),
        in_specs=[
            pl.BlockSpec((BLK, D), lambda i: (i, 0)),
            pl.BlockSpec((BLK, D), lambda i: (i, 0)),
            pl.BlockSpec((BLK, D), lambda i: (i, 0)),
            pl.BlockSpec((BLK, 1), lambda i: (i, 0)),
            pl.BlockSpec((1, BLK), lambda i: (0, i)),
            pl.BlockSpec((1, D), lambda i: (0, 0)),
            pl.BlockSpec((D, 2), lambda i: (0, 0)),
            pl.BlockSpec((1, 2), lambda i: (0, 0)),
        ],
        out_specs=pl.BlockSpec((G, 2), lambda i: (0, 0)),
        out_shape=jax.ShapeDtypeStruct((G, 2), jnp.float32),
        scratch_shapes=[
            pltpu.VMEM((G, D), jnp.float32),
            pltpu.VMEM((G, 1), jnp.float32),
        ],
        compiler_params=pltpu.CompilerParams(
            dimension_semantics=("arbitrary",),
        ),
    )(accA, accB, hs, dinv, batch_row, b1r, fcW, fcbr)


def kernel(x, edge_index, batch, W1, b1, fcW, fcb):
    src = edge_index[0].astype(jnp.int32)
    dst = edge_index[1].astype(jnp.int32)
    dst_w = dst.reshape(NW, EPW)
    src_ch = src.reshape(NW, NCH // 16, 16, C)
    dst_ch = dst.reshape(NW, NCH // 16, 16, C)
    x_pad = jnp.pad(x, ((0, NP - N_NODES), (0, 0)))
    batch_row = jnp.pad(
        batch.astype(jnp.int32), (0, NP - N_NODES), constant_values=G
    ).reshape(1, NP)
    zeros_nd = jnp.zeros((RPS, D), jnp.float32)

    deg_part = _sc_degree(dst_w)
    deg_t = deg_part.reshape(NW, NP).T
    hs, dinv = _tc_matmul(deg_t, x_pad, W1)
    acc = _sc_edge_agg(hs, src_ch, dst_ch, zeros_nd)
    out = _tc_head(
        acc[0], acc[1], hs, dinv, batch_row,
        b1.reshape(1, D), fcW, fcb.reshape(1, 2),
    )
    return out

# --- scband reference (transcript-rebuilt; emitter-appended) ---
"""Pipeline reference for scband-crystal-gnn-80178449482414 (READ-ONLY COPY).

The authoritative reference and input builder live on the scoring server;
editing this copy changes nothing except your own understanding.
"""

import jax, jax.numpy as jnp
import numpy as np

N_NODES = 10000
N_EDGES = 320000
D_FEAT = 128
HIDDEN = 128
N_GRAPHS = 64


def setup_inputs(seed: int = 0) -> dict:
    key = jax.random.key(seed)
    k_x, k_e, k_b, k_w1, k_b1, k_fw, k_fb = jax.random.split(key, 7)
    x = jax.random.normal(k_x, (N_NODES, D_FEAT), dtype=jnp.float32)
    edge_index = jax.random.randint(k_e, (2, N_EDGES), 0, N_NODES, dtype=jnp.int64)
    batch = jnp.sort(jax.random.randint(k_b, (N_NODES,), 0, N_GRAPHS, dtype=jnp.int64))
    # GCNConv parameters (glorot-style scale) and final linear layer
    W1 = jax.random.normal(k_w1, (D_FEAT, HIDDEN), dtype=jnp.float32) * (1.0 / np.sqrt(D_FEAT))
    b1 = jnp.zeros((HIDDEN,), dtype=jnp.float32)
    fcW = jax.random.normal(k_fw, (HIDDEN, 2), dtype=jnp.float32) * (1.0 / np.sqrt(HIDDEN))
    fcb = jnp.zeros((2,), dtype=jnp.float32)
    return {"x": x, "edge_index": edge_index, "batch": batch, "W1": W1, "b1": b1, "fcW": fcW, "fcb": fcb}


def _gcn_conv(x, edge_index, W, b, num_nodes):
    # GCNConv: x' = D^{-1/2} (A + I) D^{-1/2} X W + b
    src = edge_index[0]
    dst = edge_index[1]
    loop = jnp.arange(num_nodes, dtype=src.dtype)
    src = jnp.concatenate([src, loop])
    dst = jnp.concatenate([dst, loop])
    ones = jnp.ones(src.shape[0], dtype=jnp.float32)
    deg = jax.ops.segment_sum(ones, dst, num_segments=num_nodes)
    deg_inv_sqrt = jnp.where(deg > 0, 1.0 / jnp.sqrt(deg), 0.0)
    norm = deg_inv_sqrt[src] * deg_inv_sqrt[dst]
    h = x @ W
    msg = h[src] * norm[:, None]
    out = jax.ops.segment_sum(msg, dst, num_segments=num_nodes)
    return out + b


def _global_mean_pool(x, batch, num_graphs):
    sums = jax.ops.segment_sum(x, batch, num_segments=num_graphs)
    counts = jax.ops.segment_sum(jnp.ones(x.shape[0], dtype=jnp.float32), batch, num_segments=num_graphs)
    return sums / jnp.maximum(counts, 1.0)[:, None]


def reference(x, edge_index, batch, W1, b1, fcW, fcb):
    num_nodes = x.shape[0]
    h = _gcn_conv(x, edge_index, W1, b1, num_nodes)
    h = jax.nn.relu(h)
    # dropout p=0.5 is identity in eval mode (training=False)
    g = _global_mean_pool(h, batch, N_GRAPHS)
    logits = g @ fcW + fcb
    return jax.nn.log_softmax(logits, axis=1)

if __name__ == "__main__":
    import jax
    _d = setup_inputs()
    print(jax.jit(kernel)(*tuple(_d.values())))

</pallas_src>

<mosaic_0001>
#map = affine_map<(d0, d1) -> (0, 0)>
#map1 = affine_map<(d0, d1) -> (0, 0, 0)>
module attributes {stable_mosaic.version = 14 : i64} {
  func.func @_sc_degree(%arg0: i32, %arg1: i32, %arg2: memref<32x10000xi32, #tpu.memory_space<hbm>>, %arg3: memref<32x640x16xf32, #tpu.memory_space<hbm>>, %arg4: memref<10000xi32, #tpu.memory_space<vmem>>, %arg5: memref<640x16xf32, #tpu.memory_space<vmem>>) attributes {dimension_semantics = [#tpu.dimension_semantics<core_parallel>, #tpu.dimension_semantics<subcore_parallel>], iteration_bounds = array<i64: 2, 16>, scalar_prefetch = 0 : i64, scratch_operands = 2 : i64, tpu.core_type = #tpu.core_type<sc_vector_subcore>, window_params = [{transform_indices = #map}, {transform_indices = #map1}]} {
    %mul3A = arith.constant 16 : i32
    %mul3A_0 = arith.muli %arg0, %mul3A : i32
    %add3A = arith.addi %mul3A_0, %arg1 : i32
    "tpu.region"() ({
      %run_scoped3A = tpu.sem_alloc : memref<!tpu.dma_semaphore, #tpu.memory_space<semaphore_mem>>
      %dma_start3A = arith.constant 0 : i32
      %dma_start3A_15 = tpu.memref_slice %arg2[%add3A, %dma_start3A] : memref<32x10000xi32, #tpu.memory_space<hbm>> -> memref<1x10000xi32, #tpu.memory_space<hbm>>
      %dma_start3A_16 = tpu.memref_squeeze %dma_start3A_15 : memref<1x10000xi32, #tpu.memory_space<hbm>> -> memref<10000xi32, #tpu.memory_space<hbm>>
      %dma_start3A_17 = arith.constant 0 : i32
      %dma_start3A_18 = tpu.memref_slice %arg2[%add3A, %dma_start3A_17] : memref<32x10000xi32, #tpu.memory_space<hbm>> -> memref<1x10000xi32, #tpu.memory_space<hbm>>
      %dma_start3A_19 = tpu.memref_squeeze %dma_start3A_18 : memref<1x10000xi32, #tpu.memory_space<hbm>> -> memref<10000xi32, #tpu.memory_space<hbm>>
      tpu.enqueue_dma source(%dma_start3A_19 : memref<10000xi32, #tpu.memory_space<hbm>>) target(%arg4 : memref<10000xi32, #tpu.memory_space<vmem>>) target_semaphore(%run_scoped3A : memref<!tpu.dma_semaphore, #tpu.memory_space<semaphore_mem>>)
      %dma_wait3A = arith.constant 0 : i32
      %dma_wait3A_20 = tpu.memref_slice %arg2[%add3A, %dma_wait3A] : memref<32x10000xi32, #tpu.memory_space<hbm>> -> memref<1x10000xi32, #tpu.memory_space<hbm>>
      %dma_wait3A_21 = tpu.memref_squeeze %dma_wait3A_20 : memref<1x10000xi32, #tpu.memory_space<hbm>> -> memref<10000xi32, #tpu.memory_space<hbm>>
      %dma_wait3A_22 = arith.constant 0 : i32
      %dma_wait3A_23 = tpu.memref_slice %arg2[%add3A, %dma_wait3A_22] : memref<32x10000xi32, #tpu.memory_space<hbm>> -> memref<1x10000xi32, #tpu.memory_space<hbm>>
      %dma_wait3A_24 = tpu.memref_squeeze %dma_wait3A_23 : memref<1x10000xi32, #tpu.memory_space<hbm>> -> memref<10000xi32, #tpu.memory_space<hbm>>
      tpu.wait_dma2 semaphore(%run_scoped3A : memref<!tpu.dma_semaphore, #tpu.memory_space<semaphore_mem>>) src(%dma_wait3A_24 : memref<10000xi32, #tpu.memory_space<hbm>>) dst(%arg4 : memref<10000xi32, #tpu.memory_space<vmem>>)
      tpu.yield
    }) : () -> ()
    %broadcast_in_dim3A = arith.constant 0.000000e+00 : f32
    %broadcast_in_dim3A_1 = vector.broadcast %broadcast_in_dim3A : f32 to vector<16xf32>
    %scan3A = arith.constant 0 : i32
    %scan3A_2 = arith.constant 0 : i32
    %scan3A_3 = arith.constant 640 : i32
    %scan3A_4 = arith.addi %scan3A_2, %scan3A_3 : i32
    %scan3A_5 = arith.constant 1 : i32
    scf.for %scan3A_15 = %scan3A_2 to %scan3A_4 step %scan3A_5  : i32 {
      %swap3A = arith.index_cast %scan3A_15 : i32 to index
      %swap3A_16 = arith.constant 0 : index
      %swap3A_17 = tpu.vector_load %arg5[%swap3A, %swap3A_16] {strides = array<i32>} : memref<640x16xf32, #tpu.memory_space<vmem>>, vector<16xf32>,
      tpu.vector_store %arg5[%swap3A, %swap3A_16], %broadcast_in_dim3A_1 {strides = array<i32>} : memref<640x16xf32, #tpu.memory_space<vmem>>, vector<16xf32>,
    }
    %scan3A_6 = arith.constant 640 : i32
    %broadcast_in_dim3A_7 = arith.constant 1.000000e+00 : f32
    %broadcast_in_dim3A_8 = vector.broadcast %broadcast_in_dim3A_7 : f32 to vector<16xf32>
    %scan3A_9 = arith.constant 0 : i32
    %scan3A_10 = arith.constant 0 : i32
    %scan3A_11 = arith.constant 625 : i32
    %scan3A_12 = arith.addi %scan3A_10, %scan3A_11 : i32
    %scan3A_13 = arith.constant 1 : i32
    scf.for %scan3A_15 = %scan3A_10 to %scan3A_12 step %scan3A_13  : i32 {
      %mul3A_16 = arith.constant 16 : i32
      %mul3A_17 = arith.muli %scan3A_15, %mul3A_16 : i32
      %get3A = arith.index_cast %mul3A_17 : i32 to index
      %get3A_18 = tpu.vector_load %arg4[%get3A] {strides = array<i32>} : memref<10000xi32, #tpu.memory_space<vmem>>, vector<16xi32>,
      %shift_right_arithmetic3A = arith.constant 4 : i32
      %shift_right_arithmetic3A_19 = vector.broadcast %shift_right_arithmetic3A : i32 to vector<16xi32>
      %shift_right_arithmetic3A_20 = arith.shrsi %get3A_18, %shift_right_arithmetic3A_19 : vector<16xi32>
      %and3A = arith.constant 15 : i32
      %and3A_21 = vector.broadcast %and3A : i32 to vector<16xi32>
      %and3A_22 = arith.andi %get3A_18, %and3A_21 : vector<16xi32>
      tpu.vector_store_idx %arg5[%shift_right_arithmetic3A_20, %and3A_22], %broadcast_in_dim3A_8 {add = true} : memref<640x16xf32, #tpu.memory_space<vmem>>[vector<16xi32>, vector<16xi32>], vector<16xf32>,
    }
    %scan3A_14 = arith.constant 625 : i32
    "tpu.region"() ({
      %run_scoped3A = tpu.sem_alloc : memref<!tpu.dma_semaphore, #tpu.memory_space<semaphore_mem>>
      %dma_start3A = arith.constant 0 : i32
      %dma_start3A_15 = arith.constant 0 : i32
      %dma_start3A_16 = tpu.memref_slice %arg3[%add3A, %dma_start3A, %dma_start3A_15] : memref<32x640x16xf32, #tpu.memory_space<hbm>> -> memref<1x640x16xf32, #tpu.memory_space<hbm>>
      %dma_start3A_17 = tpu.memref_squeeze %dma_start3A_16 : memref<1x640x16xf32, #tpu.memory_space<hbm>> -> memref<640x16xf32, #tpu.memory_space<hbm>>
      %dma_start3A_18 = arith.constant 0 : i32
      %dma_start3A_19 = arith.constant 0 : i32
      %dma_start3A_20 = tpu.memref_slice %arg3[%add3A, %dma_start3A_18, %dma_start3A_19] : memref<32x640x16xf32, #tpu.memory_space<hbm>> -> memref<1x640x16xf32, #tpu.memory_space<hbm>>
      %dma_start3A_21 = tpu.memref_squeeze %dma_start3A_20 : memref<1x640x16xf32, #tpu.memory_space<hbm>> -> memref<640x16xf32, #tpu.memory_space<hbm>>
      tpu.enqueue_dma source(%arg5 : memref<640x16xf32, #tpu.memory_space<vmem>>) target(%dma_start3A_21 : memref<640x16xf32, #tpu.memory_space<hbm>>) target_semaphore(%run_scoped3A : memref<!tpu.dma_semaphore, #tpu.memory_space<semaphore_mem>>)
      %dma_wait3A = arith.constant 0 : i32
      %dma_wait3A_22 = arith.constant 0 : i32
      %dma_wait3A_23 = tpu.memref_slice %arg3[%add3A, %dma_wait3A, %dma_wait3A_22] : memref<32x640x16xf32, #tpu.memory_space<hbm>> -> memref<1x640x16xf32, #tpu.memory_space<hbm>>
      %dma_wait3A_24 = tpu.memref_squeeze %dma_wait3A_23 : memref<1x640x16xf32, #tpu.memory_space<hbm>> -> memref<640x16xf32, #tpu.memory_space<hbm>>
      %dma_wait3A_25 = arith.constant 0 : i32
      %dma_wait3A_26 = arith.constant 0 : i32
      %dma_wait3A_27 = tpu.memref_slice %arg3[%add3A, %dma_wait3A_25, %dma_wait3A_26] : memref<32x640x16xf32, #tpu.memory_space<hbm>> -> memref<1x640x16xf32, #tpu.memory_space<hbm>>
      %dma_wait3A_28 = tpu.memref_squeeze %dma_wait3A_27 : memref<1x640x16xf32, #tpu.memory_space<hbm>> -> memref<640x16xf32, #tpu.memory_space<hbm>>
      tpu.wait_dma2 semaphore(%run_scoped3A : memref<!tpu.dma_semaphore, #tpu.memory_space<semaphore_mem>>) src(%arg5 : memref<640x16xf32, #tpu.memory_space<vmem>>) dst(%dma_wait3A_28 : memref<640x16xf32, #tpu.memory_space<hbm>>)
      tpu.yield
    }) : () -> ()
    return
  }
}

#map = affine_map<(d0, d1) -> (0, 0)>
#map1 = affine_map<(d0, d1) -> (0, 0, 0, 0)>
#map2 = affine_map<(d0, d1) -> (0, 0, 0)>
module attributes {stable_mosaic.version = 14 : i64} {
  func.func @_sc_edge_agg(%arg0: i32, %arg1: i32, %arg2: memref<10240x128xf32, #tpu.memory_space<hbm>>, %arg3: memref<32x5x16x125xi32, #tpu.memory_space<hbm>>, %arg4: memref<32x5x16x125xi32, #tpu.memory_space<hbm>>, %arg5: memref<640x128xf32, #tpu.memory_space<hbm>>, %arg6: memref<2x10240x128xf32, #tpu.memory_space<hbm>>, %arg7: memref<16x125xi32, #tpu.memory_space<vmem>>, %arg8: memref<16x125xi32, #tpu.memory_space<vmem>>, %arg9: memref<125x128xf32, #tpu.memory_space<vmem>>, %arg10: memref<125x128xf32, #tpu.memory_space<vmem>>, %arg11: memref<10240x128xf32, #tpu.memory_space<vmem_shared>>) attributes {dimension_semantics = [#tpu.dimension_semantics<core_parallel>, #tpu.dimension_semantics<subcore_parallel>], iteration_bounds = array<i64: 2, 16>, scalar_prefetch = 0 : i64, scratch_operands = 5 : i64, tpu.core_type = #tpu.core_type<sc_vector_subcore>, window_params = [{transform_indices = #map}, {transform_indices = #map1}, {transform_indices = #map1}, {transform_indices = #map}, {transform_indices = #map2}]} {
    %mul3A = arith.constant 16 : i32
    %mul3A_0 = arith.muli %arg0, %mul3A : i32
    %add3A = arith.addi %mul3A_0, %arg1 : i32
    %mul3A_1 = arith.constant 640 : i32
    %mul3A_2 = arith.muli %arg1, %mul3A_1 : i32
    "tpu.region"() ({
      %run_scoped3A = tpu.sem_alloc : memref<!tpu.dma_semaphore, #tpu.memory_space<semaphore_mem>>
      %dma_start3A = arith.constant 0 : i32
      %dma_start3A_8 = tpu.memref_slice %arg11[%mul3A_2, %dma_start3A] : memref<10240x128xf32, #tpu.memory_space<vmem_shared>> -> memref<640x128xf32, #tpu.memory_space<vmem_shared>>
      tpu.enqueue_dma source(%arg5 : memref<640x128xf32, #tpu.memory_space<hbm>>) target(%dma_start3A_8 : memref<640x128xf32, #tpu.memory_space<vmem_shared>>) target_semaphore(%run_scoped3A : memref<!tpu.dma_semaphore, #tpu.memory_space<semaphore_mem>>)
      %dma_wait3A = arith.constant 0 : i32
      %dma_wait3A_9 = tpu.memref_slice %arg11[%mul3A_2, %dma_wait3A] : memref<10240x128xf32, #tpu.memory_space<vmem_shared>> -> memref<640x128xf32, #tpu.memory_space<vmem_shared>>
      tpu.wait_dma2 semaphore(%run_scoped3A : memref<!tpu.dma_semaphore, #tpu.memory_space<semaphore_mem>>) src(%arg5 : memref<640x128xf32, #tpu.memory_space<hbm>>) dst(%dma_wait3A_9 : memref<640x128xf32, #tpu.memory_space<vmem_shared>>)
      tpu.yield
    }) : () -> ()
    %barrier3A = arith.constant 0 : index
    tpu.barrier barrier_id(%barrier3A)
    "tpu.region"() ({
      %run_scoped3A = tpu.sem_alloc : memref<!tpu.dma_semaphore, #tpu.memory_space<semaphore_mem>>
      %run_scoped3A_8 = tpu.sem_alloc : memref<!tpu.dma_semaphore, #tpu.memory_space<semaphore_mem>>
      %scan3A = arith.constant 0 : i32
      %scan3A_9 = arith.constant 0 : i32
      %scan3A_10 = arith.constant 5 : i32
      %scan3A_11 = arith.addi %scan3A_9, %scan3A_10 : i32
      %scan3A_12 = arith.constant 1 : i32
      scf.for %scan3A_14 = %scan3A_9 to %scan3A_11 step %scan3A_12  : i32 {
        "tpu.region"() ({
          %run_scoped3A_22 = tpu.sem_alloc : memref<!tpu.dma_semaphore, #tpu.memory_space<semaphore_mem>>
          %dma_start3A = arith.constant 0 : i32
          %dma_start3A_23 = arith.constant 0 : i32
          %dma_start3A_24 = arith.constant 0 : i32
          %dma_start3A_25 = tpu.memref_slice %arg3[%add3A, %dma_start3A, %dma_start3A_23, %dma_start3A_24] : memref<32x5x16x125xi32, #tpu.memory_space<hbm>> -> memref<1x5x16x125xi32, #tpu.memory_space<hbm>>
          %dma_start3A_26 = tpu.memref_squeeze %dma_start3A_25 : memref<1x5x16x125xi32, #tpu.memory_space<hbm>> -> memref<5x16x125xi32, #tpu.memory_space<hbm>>
          %dma_start3A_27 = arith.constant 0 : i32
          %dma_start3A_28 = arith.constant 0 : i32
          %dma_start3A_29 = tpu.memref_slice %dma_start3A_26[%scan3A_14, %dma_start3A_27, %dma_start3A_28] : memref<5x16x125xi32, #tpu.memory_space<hbm>> -> memref<1x16x125xi32, #tpu.memory_space<hbm>>
          %dma_start3A_30 = tpu.memref_squeeze %dma_start3A_29 : memref<1x16x125xi32, #tpu.memory_space<hbm>> -> memref<16x125xi32, #tpu.memory_space<hbm>>
          %dma_start3A_31 = arith.constant 0 : i32
          %dma_start3A_32 = arith.constant 0 : i32
          %dma_start3A_33 = arith.constant 0 : i32
          %dma_start3A_34 = tpu.memref_slice %arg3[%add3A, %dma_start3A_31, %dma_start3A_32, %dma_start3A_33] : memref<32x5x16x125xi32, #tpu.memory_space<hbm>> -> memref<1x5x16x125xi32, #tpu.memory_space<hbm>>
          %dma_start3A_35 = tpu.memref_squeeze %dma_start3A_34 : memref<1x5x16x125xi32, #tpu.memory_space<hbm>> -> memref<5x16x125xi32, #tpu.memory_space<hbm>>
          %dma_start3A_36 = arith.constant 0 : i32
          %dma_start3A_37 = arith.constant 0 : i32
          %dma_start3A_38 = tpu.memref_slice %dma_start3A_35[%scan3A_14, %dma_start3A_36, %dma_start3A_37] : memref<5x16x125xi32, #tpu.memory_space<hbm>> -> memref<1x16x125xi32, #tpu.memory_space<hbm>>
          %dma_start3A_39 = tpu.memref_squeeze %dma_start3A_38 : memref<1x16x125xi32, #tpu.memory_space<hbm>> -> memref<16x125xi32, #tpu.memory_space<hbm>>
          tpu.enqueue_dma source(%dma_start3A_39 : memref<16x125xi32, #tpu.memory_space<hbm>>) target(%arg7 : memref<16x125xi32, #tpu.memory_space<vmem>>) target_semaphore(%run_scoped3A_22 : memref<!tpu.dma_semaphore, #tpu.memory_space<semaphore_mem>>)
          %dma_wait3A = arith.constant 0 : i32
          %dma_wait3A_40 = arith.constant 0 : i32
          %dma_wait3A_41 = arith.constant 0 : i32
          %dma_wait3A_42 = tpu.memref_slice %arg3[%add3A, %dma_wait3A, %dma_wait3A_40, %dma_wait3A_41] : memref<32x5x16x125xi32, #tpu.memory_space<hbm>> -> memref<1x5x16x125xi32, #tpu.memory_space<hbm>>
          %dma_wait3A_43 = tpu.memref_squeeze %dma_wait3A_42 : memref<1x5x16x125xi32, #tpu.memory_space<hbm>> -> memref<5x16x125xi32, #tpu.memory_space<hbm>>
          %dma_wait3A_44 = arith.constant 0 : i32
          %dma_wait3A_45 = arith.constant 0 : i32
          %dma_wait3A_46 = tpu.memref_slice %dma_wait3A_43[%scan3A_14, %dma_wait3A_44, %dma_wait3A_45] : memref<5x16x125xi32, #tpu.memory_space<hbm>> -> memref<1x16x125xi32, #tpu.memory_space<hbm>>
          %dma_wait3A_47 = tpu.memref_squeeze %dma_wait3A_46 : memref<1x16x125xi32, #tpu.memory_space<hbm>> -> memref<16x125xi32, #tpu.memory_space<hbm>>
          %dma_wait3A_48 = arith.constant 0 : i32
          %dma_wait3A_49 = arith.constant 0 : i32
          %dma_wait3A_50 = arith.constant 0 : i32
          %dma_wait3A_51 = tpu.memref_slice %arg3[%add3A, %dma_wait3A_48, %dma_wait3A_49, %dma_wait3A_50] : memref<32x5x16x125xi32, #tpu.memory_space<hbm>> -> memref<1x5x16x125xi32, #tpu.memory_space<hbm>>
          %dma_wait3A_52 = tpu.memref_squeeze %dma_wait3A_51 : memref<1x5x16x125xi32, #tpu.memory_space<hbm>> -> memref<5x16x125xi32, #tpu.memory_space<hbm>>
          %dma_wait3A_53 = arith.constant 0 : i32
          %dma_wait3A_54 = arith.constant 0 : i32
          %dma_wait3A_55 = tpu.memref_slice %dma_wait3A_52[%scan3A_14, %dma_wait3A_53, %dma_wait3A_54] : memref<5x16x125xi32, #tpu.memory_space<hbm>> -> memref<1x16x125xi32, #tpu.memory_space<hbm>>
          %dma_wait3A_56 = tpu.memref_squeeze %dma_wait3A_55 : memref<1x16x125xi32, #tpu.memory_space<hbm>> -> memref<16x125xi32, #tpu.memory_space<hbm>>
          tpu.wait_dma2 semaphore(%run_scoped3A_22 : memref<!tpu.dma_semaphore, #tpu.memory_space<semaphore_mem>>) src(%dma_wait3A_56 : memref<16x125xi32, #tpu.memory_space<hbm>>) dst(%arg7 : memref<16x125xi32, #tpu.memory_space<vmem>>)
          tpu.yield
        }) : () -> ()
        "tpu.region"() ({
          %run_scoped3A_22 = tpu.sem_alloc : memref<!tpu.dma_semaphore, #tpu.memory_space<semaphore_mem>>
          %dma_start3A = arith.constant 0 : i32
          %dma_start3A_23 = arith.constant 0 : i32
          %dma_start3A_24 = arith.constant 0 : i32
          %dma_start3A_25 = tpu.memref_slice %arg4[%add3A, %dma_start3A, %dma_start3A_23, %dma_start3A_24] : memref<32x5x16x125xi32, #tpu.memory_space<hbm>> -> memref<1x5x16x125xi32, #tpu.memory_space<hbm>>
          %dma_start3A_26 = tpu.memref_squeeze %dma_start3A_25 : memref<1x5x16x125xi32, #tpu.memory_space<hbm>> -> memref<5x16x125xi32, #tpu.memory_space<hbm>>
          %dma_start3A_27 = arith.constant 0 : i32
          %dma_start3A_28 = arith.constant 0 : i32
          %dma_start3A_29 = tpu.memref_slice %dma_start3A_26[%scan3A_14, %dma_start3A_27, %dma_start3A_28] : memref<5x16x125xi32, #tpu.memory_space<hbm>> -> memref<1x16x125xi32, #tpu.memory_space<hbm>>
          %dma_start3A_30 = tpu.memref_squeeze %dma_start3A_29 : memref<1x16x125xi32, #tpu.memory_space<hbm>> -> memref<16x125xi32, #tpu.memory_space<hbm>>
          %dma_start3A_31 = arith.constant 0 : i32
          %dma_start3A_32 = arith.constant 0 : i32
          %dma_start3A_33 = arith.constant 0 : i32
          %dma_start3A_34 = tpu.memref_slice %arg4[%add3A, %dma_start3A_31, %dma_start3A_32, %dma_start3A_33] : memref<32x5x16x125xi32, #tpu.memory_space<hbm>> -> memref<1x5x16x125xi32, #tpu.memory_space<hbm>>
          %dma_start3A_35 = tpu.memref_squeeze %dma_start3A_34 : memref<1x5x16x125xi32, #tpu.memory_space<hbm>> -> memref<5x16x125xi32, #tpu.memory_space<hbm>>
          %dma_start3A_36 = arith.constant 0 : i32
          %dma_start3A_37 = arith.constant 0 : i32
          %dma_start3A_38 = tpu.memref_slice %dma_start3A_35[%scan3A_14, %dma_start3A_36, %dma_start3A_37] : memref<5x16x125xi32, #tpu.memory_space<hbm>> -> memref<1x16x125xi32, #tpu.memory_space<hbm>>
          %dma_start3A_39 = tpu.memref_squeeze %dma_start3A_38 : memref<1x16x125xi32, #tpu.memory_space<hbm>> -> memref<16x125xi32, #tpu.memory_space<hbm>>
          tpu.enqueue_dma source(%dma_start3A_39 : memref<16x125xi32, #tpu.memory_space<hbm>>) target(%arg8 : memref<16x125xi32, #tpu.memory_space<vmem>>) target_semaphore(%run_scoped3A_22 : memref<!tpu.dma_semaphore, #tpu.memory_space<semaphore_mem>>)
          %dma_wait3A = arith.constant 0 : i32
          %dma_wait3A_40 = arith.constant 0 : i32
          %dma_wait3A_41 = arith.constant 0 : i32
          %dma_wait3A_42 = tpu.memref_slice %arg4[%add3A, %dma_wait3A, %dma_wait3A_40, %dma_wait3A_41] : memref<32x5x16x125xi32, #tpu.memory_space<hbm>> -> memref<1x5x16x125xi32, #tpu.memory_space<hbm>>
          %dma_wait3A_43 = tpu.memref_squeeze %dma_wait3A_42 : memref<1x5x16x125xi32, #tpu.memory_space<hbm>> -> memref<5x16x125xi32, #tpu.memory_space<hbm>>
          %dma_wait3A_44 = arith.constant 0 : i32
          %dma_wait3A_45 = arith.constant 0 : i32
          %dma_wait3A_46 = tpu.memref_slice %dma_wait3A_43[%scan3A_14, %dma_wait3A_44, %dma_wait3A_45] : memref<5x16x125xi32, #tpu.memory_space<hbm>> -> memref<1x16x125xi32, #tpu.memory_space<hbm>>
          %dma_wait3A_47 = tpu.memref_squeeze %dma_wait3A_46 : memref<1x16x125xi32, #tpu.memory_space<hbm>> -> memref<16x125xi32, #tpu.memory_space<hbm>>
          %dma_wait3A_48 = arith.constant 0 : i32
          %dma_wait3A_49 = arith.constant 0 : i32
          %dma_wait3A_50 = arith.constant 0 : i32
          %dma_wait3A_51 = tpu.memref_slice %arg4[%add3A, %dma_wait3A_48, %dma_wait3A_49, %dma_wait3A_50] : memref<32x5x16x125xi32, #tpu.memory_space<hbm>> -> memref<1x5x16x125xi32, #tpu.memory_space<hbm>>
          %dma_wait3A_52 = tpu.memref_squeeze %dma_wait3A_51 : memref<1x5x16x125xi32, #tpu.memory_space<hbm>> -> memref<5x16x125xi32, #tpu.memory_space<hbm>>
          %dma_wait3A_53 = arith.constant 0 : i32
          %dma_wait3A_54 = arith.constant 0 : i32
          %dma_wait3A_55 = tpu.memref_slice %dma_wait3A_52[%scan3A_14, %dma_wait3A_53, %dma_wait3A_54] : memref<5x16x125xi32, #tpu.memory_space<hbm>> -> memref<1x16x125xi32, #tpu.memory_space<hbm>>
          %dma_wait3A_56 = tpu.memref_squeeze %dma_wait3A_55 : memref<1x16x125xi32, #tpu.memory_space<hbm>> -> memref<16x125xi32, #tpu.memory_space<hbm>>
          tpu.wait_dma2 semaphore(%run_scoped3A_22 : memref<!tpu.dma_semaphore, #tpu.memory_space<semaphore_mem>>) src(%dma_wait3A_56 : memref<16x125xi32, #tpu.memory_space<hbm>>) dst(%arg8 : memref<16x125xi32, #tpu.memory_space<vmem>>)
          tpu.yield
        }) : () -> ()
        %run_scoped3A_15 = arith.constant 0 : i32
        "tpu.region"() ({
          %run_scoped3A_22 = tpu.sem_alloc : memref<!tpu.dma_semaphore, #tpu.memory_space<semaphore_mem>>
          %dma_start3A = arith.constant 0 : i32
          %dma_start3A_23 = tpu.memref_slice %arg7[%run_scoped3A_15, %dma_start3A] : memref<16x125xi32, #tpu.memory_space<vmem>> -> memref<1x125xi32, #tpu.memory_space<vmem>>
          %dma_start3A_24 = tpu.memref_squeeze %dma_start3A_23 : memref<1x125xi32, #tpu.memory_space<vmem>> -> memref<125xi32, #tpu.memory_space<vmem>>
          %dma_start3A_25 = arith.constant 0 : i32
          %dma_start3A_26 = arith.constant 0 : i32
          %dma_start3A_27 = tpu.memref_slice %arg2[%dma_start3A_25, %dma_start3A_26] : memref<10240x128xf32, #tpu.memory_space<hbm>> -> memref<10240x128xf32, #tpu.memory_space<hbm>>
          tpu.enqueue_indirect_dma source(%dma_start3A_27 : memref<10240x128xf32, #tpu.memory_space<hbm>>) target(%arg9 : memref<125x128xf32, #tpu.memory_space<vmem>>) offsets(%dma_start3A_24 : memref<125xi32, #tpu.memory_space<vmem>>) semaphore(%run_scoped3A_22 : memref<!tpu.dma_semaphore, #tpu.memory_space<semaphore_mem>>)
          %dma_wait3A = arith.constant 0 : i32
          %dma_wait3A_28 = tpu.memref_slice %arg7[%run_scoped3A_15, %dma_wait3A] : memref<16x125xi32, #tpu.memory_space<vmem>> -> memref<1x125xi32, #tpu.memory_space<vmem>>
          %dma_wait3A_29 = tpu.memref_squeeze %dma_wait3A_28 : memref<1x125xi32, #tpu.memory_space<vmem>> -> memref<125xi32, #tpu.memory_space<vmem>>
          %dma_wait3A_30 = arith.constant 0 : i32
          %dma_wait3A_31 = arith.constant 0 : i32
          %dma_wait3A_32 = tpu.memref_slice %arg2[%dma_wait3A_30, %dma_wait3A_31] : memref<10240x128xf32, #tpu.memory_space<hbm>> -> memref<10240x128xf32, #tpu.memory_space<hbm>>
          tpu.wait_indirect_dma semaphore(%run_scoped3A_22 : memref<!tpu.dma_semaphore, #tpu.memory_space<semaphore_mem>>) src(%dma_wait3A_32 : memref<10240x128xf32, #tpu.memory_space<hbm>>) dst(%arg9 : memref<125x128xf32, #tpu.memory_space<vmem>>)
          tpu.yield
        }) : () -> ()
        %scan3A_16 = arith.constant 0 : i32
        %scan3A_17 = arith.constant 0 : i32
        %scan3A_18 = arith.constant 8 : i32
        %scan3A_19 = arith.addi %scan3A_17, %scan3A_18 : i32
        %scan3A_20 = arith.constant 1 : i32
        scf.for %scan3A_22 = %scan3A_17 to %scan3A_19 step %scan3A_20  : i32 {
          %mul3A_23 = arith.constant 2 : i32
          %mul3A_24 = arith.muli %scan3A_22, %mul3A_23 : i32
          %add3A_25 = arith.constant 1 : i32
          %add3A_26 = arith.addi %mul3A_24, %add3A_25 : i32
          %dma_start3A = arith.constant 0 : i32
          %dma_start3A_27 = tpu.memref_slice %arg7[%add3A_26, %dma_start3A] : memref<16x125xi32, #tpu.memory_space<vmem>> -> memref<1x125xi32, #tpu.memory_space<vmem>>
          %dma_start3A_28 = tpu.memref_squeeze %dma_start3A_27 : memref<1x125xi32, #tpu.memory_space<vmem>> -> memref<125xi32, #tpu.memory_space<vmem>>
          %dma_start3A_29 = arith.constant 0 : i32
          %dma_start3A_30 = arith.constant 0 : i32
          %dma_start3A_31 = tpu.memref_slice %arg2[%dma_start3A_29, %dma_start3A_30] : memref<10240x128xf32, #tpu.memory_space<hbm>> -> memref<10240x128xf32, #tpu.memory_space<hbm>>
          tpu.enqueue_indirect_dma source(%dma_start3A_31 : memref<10240x128xf32, #tpu.memory_space<hbm>>) target(%arg10 : memref<125x128xf32, #tpu.memory_space<vmem>>) offsets(%dma_start3A_28 : memref<125xi32, #tpu.memory_space<vmem>>) semaphore(%run_scoped3A_8 : memref<!tpu.dma_semaphore, #tpu.memory_space<semaphore_mem>>)
          "tpu.region"() ({
            %run_scoped3A_48 = tpu.sem_alloc : memref<!tpu.dma_semaphore, #tpu.memory_space<semaphore_mem>>
            %dma_start3A_49 = arith.constant 0 : i32
            %dma_start3A_50 = tpu.memref_slice %arg8[%mul3A_24, %dma_start3A_49] : memref<16x125xi32, #tpu.memory_space<vmem>> -> memref<1x125xi32, #tpu.memory_space<vmem>>
            %dma_start3A_51 = tpu.memref_squeeze %dma_start3A_50 : memref<1x125xi32, #tpu.memory_space<vmem>> -> memref<125xi32, #tpu.memory_space<vmem>>
            %dma_start3A_52 = arith.constant 0 : i32
            %dma_start3A_53 = arith.constant 0 : i32
            %dma_start3A_54 = tpu.memref_slice %arg11[%dma_start3A_52, %dma_start3A_53] : memref<10240x128xf32, #tpu.memory_space<vmem_shared>> -> memref<10240x128xf32, #tpu.memory_space<vmem_shared>>
            tpu.enqueue_indirect_dma source(%arg9 : memref<125x128xf32, #tpu.memory_space<vmem>>) target(%dma_start3A_54 : memref<10240x128xf32, #tpu.memory_space<vmem_shared>>) offsets(%dma_start3A_51 : memref<125xi32, #tpu.memory_space<vmem>>) semaphore(%run_scoped3A_48 : memref<!tpu.dma_semaphore, #tpu.memory_space<semaphore_mem>>) {add = true}
            %dma_wait3A_55 = arith.constant 0 : i32
            %dma_wait3A_56 = tpu.memref_slice %arg8[%mul3A_24, %dma_wait3A_55] : memref<16x125xi32, #tpu.memory_space<vmem>> -> memref<1x125xi32, #tpu.memory_space<vmem>>
            %dma_wait3A_57 = tpu.memref_squeeze %dma_wait3A_56 : memref<1x125xi32, #tpu.memory_space<vmem>> -> memref<125xi32, #tpu.memory_space<vmem>>
            %dma_wait3A_58 = arith.constant 0 : i32
            %dma_wait3A_59 = arith.constant 0 : i32
            %dma_wait3A_60 = tpu.memref_slice %arg11[%dma_wait3A_58, %dma_wait3A_59] : memref<10240x128xf32, #tpu.memory_space<vmem_shared>> -> memref<10240x128xf32, #tpu.memory_space<vmem_shared>>
            tpu.wait_indirect_dma semaphore(%run_scoped3A_48 : memref<!tpu.dma_semaphore, #tpu.memory_space<semaphore_mem>>) src(%arg9 : memref<125x128xf32, #tpu.memory_space<vmem>>) dst(%dma_wait3A_60 : memref<10240x128xf32, #tpu.memory_space<vmem_shared>>)
            tpu.yield
          }) : () -> ()
          %add3A_32 = arith.constant 1 : i32
          %add3A_33 = arith.addi %mul3A_24, %add3A_32 : i32
          %dma_wait3A = arith.constant 0 : i32
          %dma_wait3A_34 = tpu.memref_slice %arg7[%add3A_33, %dma_wait3A] : memref<16x125xi32, #tpu.memory_space<vmem>> -> memref<1x125xi32, #tpu.memory_space<vmem>>
          %dma_wait3A_35 = tpu.memref_squeeze %dma_wait3A_34 : memref<1x125xi32, #tpu.memory_space<vmem>> -> memref<125xi32, #tpu.memory_space<vmem>>
          %dma_wait3A_36 = arith.constant 0 : i32
          %dma_wait3A_37 = arith.constant 0 : i32
          %dma_wait3A_38 = tpu.memref_slice %arg2[%dma_wait3A_36, %dma_wait3A_37] : memref<10240x128xf32, #tpu.memory_space<hbm>> -> memref<10240x128xf32, #tpu.memory_space<hbm>>
          tpu.wait_indirect_dma semaphore(%run_scoped3A_8 : memref<!tpu.dma_semaphore, #tpu.memory_space<semaphore_mem>>) src(%dma_wait3A_38 : memref<10240x128xf32, #tpu.memory_space<hbm>>) dst(%arg10 : memref<125x128xf32, #tpu.memory_space<vmem>>)
          %lt3A = arith.constant 7 : i32
          %lt3A_39 = arith.cmpi slt, %scan3A_22, %lt3A : i32
          %convert_element_type3A = arith.extui %lt3A_39 : i1 to i32
          %cond3A = arith.constant 0 : i32
          %cond3A_40 = arith.cmpi ne, %convert_element_type3A, %cond3A : i32
          scf.if %cond3A_40 {
            %add3A_48 = arith.constant 2 : i32
            %add3A_49 = arith.addi %mul3A_24, %add3A_48 : i32
            %dma_start3A_50 = arith.constant 0 : i32
            %dma_start3A_51 = tpu.memref_slice %arg7[%add3A_49, %dma_start3A_50] : memref<16x125xi32, #tpu.memory_space<vmem>> -> memref<1x125xi32, #tpu.memory_space<vmem>>
            %dma_start3A_52 = tpu.memref_squeeze %dma_start3A_51 : memref<1x125xi32, #tpu.memory_space<vmem>> -> memref<125xi32, #tpu.memory_space<vmem>>
            %dma_start3A_53 = arith.constant 0 : i32
            %dma_start3A_54 = arith.constant 0 : i32
            %dma_start3A_55 = tpu.memref_slice %arg2[%dma_start3A_53, %dma_start3A_54] : memref<10240x128xf32, #tpu.memory_space<hbm>> -> memref<10240x128xf32, #tpu.memory_space<hbm>>
            tpu.enqueue_indirect_dma source(%dma_start3A_55 : memref<10240x128xf32, #tpu.memory_space<hbm>>) target(%arg9 : memref<125x128xf32, #tpu.memory_space<vmem>>) offsets(%dma_start3A_52 : memref<125xi32, #tpu.memory_space<vmem>>) semaphore(%run_scoped3A : memref<!tpu.dma_semaphore, #tpu.memory_space<semaphore_mem>>)
          } else {
          }
          %add3A_41 = arith.constant 1 : i32
          %add3A_42 = arith.addi %mul3A_24, %add3A_41 : i32
          "tpu.region"() ({
            %run_scoped3A_48 = tpu.sem_alloc : memref<!tpu.dma_semaphore, #tpu.memory_space<semaphore_mem>>
            %dma_start3A_49 = arith.constant 0 : i32
            %dma_start3A_50 = tpu.memref_slice %arg8[%add3A_42, %dma_start3A_49] : memref<16x125xi32, #tpu.memory_space<vmem>> -> memref<1x125xi32, #tpu.memory_space<vmem>>
            %dma_start3A_51 = tpu.memref_squeeze %dma_start3A_50 : memref<1x125xi32, #tpu.memory_space<vmem>> -> memref<125xi32, #tpu.memory_space<vmem>>
            %dma_start3A_52 = arith.constant 0 : i32
            %dma_start3A_53 = arith.constant 0 : i32
            %dma_start3A_54 = tpu.memref_slice %arg11[%dma_start3A_52, %dma_start3A_53] : memref<10240x128xf32, #tpu.memory_space<vmem_shared>> -> memref<10240x128xf32, #tpu.memory_space<vmem_shared>>
            tpu.enqueue_indirect_dma source(%arg10 : memref<125x128xf32, #tpu.memory_space<vmem>>) target(%dma_start3A_54 : memref<10240x128xf32, #tpu.memory_space<vmem_shared>>) offsets(%dma_start3A_51 : memref<125xi32, #tpu.memory_space<vmem>>) semaphore(%run_scoped3A_48 : memref<!tpu.dma_semaphore, #tpu.memory_space<semaphore_mem>>) {add = true}
            %dma_wait3A_55 = arith.constant 0 : i32
            %dma_wait3A_56 = tpu.memref_slice %arg8[%add3A_42, %dma_wait3A_55] : memref<16x125xi32, #tpu.memory_space<vmem>> -> memref<1x125xi32, #tpu.memory_space<vmem>>
            %dma_wait3A_57 = tpu.memref_squeeze %dma_wait3A_56 : memref<1x125xi32, #tpu.memory_space<vmem>> -> memref<125xi32, #tpu.memory_space<vmem>>
            %dma_wait3A_58 = arith.constant 0 : i32
            %dma_wait3A_59 = arith.constant 0 : i32
            %dma_wait3A_60 = tpu.memref_slice %arg11[%dma_wait3A_58, %dma_wait3A_59] : memref<10240x128xf32, #tpu.memory_space<vmem_shared>> -> memref<10240x128xf32, #tpu.memory_space<vmem_shared>>
            tpu.wait_indirect_dma semaphore(%run_scoped3A_48 : memref<!tpu.dma_semaphore, #tpu.memory_space<semaphore_mem>>) src(%arg10 : memref<125x128xf32, #tpu.memory_space<vmem>>) dst(%dma_wait3A_60 : memref<10240x128xf32, #tpu.memory_space<vmem_shared>>)
            tpu.yield
          }) : () -> ()
          %lt3A_43 = arith.constant 7 : i32
          %lt3A_44 = arith.cmpi slt, %scan3A_22, %lt3A_43 : i32
          %convert_element_type3A_45 = arith.extui %lt3A_44 : i1 to i32
          %cond3A_46 = arith.constant 0 : i32
          %cond3A_47 = arith.cmpi ne, %convert_element_type3A_45, %cond3A_46 : i32
          scf.if %cond3A_47 {
            %add3A_48 = arith.constant 2 : i32
            %add3A_49 = arith.addi %mul3A_24, %add3A_48 : i32
            %dma_wait3A_50 = arith.constant 0 : i32
            %dma_wait3A_51 = tpu.memref_slice %arg7[%add3A_49, %dma_wait3A_50] : memref<16x125xi32, #tpu.memory_space<vmem>> -> memref<1x125xi32, #tpu.memory_space<vmem>>
            %dma_wait3A_52 = tpu.memref_squeeze %dma_wait3A_51 : memref<1x125xi32, #tpu.memory_space<vmem>> -> memref<125xi32, #tpu.memory_space<vmem>>
            %dma_wait3A_53 = arith.constant 0 : i32
            %dma_wait3A_54 = arith.constant 0 : i32
            %dma_wait3A_55 = tpu.memref_slice %arg2[%dma_wait3A_53, %dma_wait3A_54] : memref<10240x128xf32, #tpu.memory_space<hbm>> -> memref<10240x128xf32, #tpu.memory_space<hbm>>
            tpu.wait_indirect_dma semaphore(%run_scoped3A : memref<!tpu.dma_semaphore, #tpu.memory_space<semaphore_mem>>) src(%dma_wait3A_55 : memref<10240x128xf32, #tpu.memory_space<hbm>>) dst(%arg9 : memref<125x128xf32, #tpu.memory_space<vmem>>)
          } else {
          }
        }
        %scan3A_21 = arith.constant 8 : i32
      }
      %scan3A_13 = arith.constant 5 : i32
      tpu.yield
    }) : () -> ()
    %barrier3A_3 = arith.constant 0 : index
    tpu.barrier barrier_id(%barrier3A_3)
    %mul3A_4 = arith.constant 640 : i32
    %mul3A_5 = arith.muli %arg1, %mul3A_4 : i32
    %mul3A_6 = arith.constant 640 : i32
    %mul3A_7 = arith.muli %arg1, %mul3A_6 : i32
    "tpu.region"() ({
      %run_scoped3A = tpu.sem_alloc : memref<!tpu.dma_semaphore, #tpu.memory_space<semaphore_mem>>
      %dma_start3A = arith.constant 0 : i32
      %dma_start3A_8 = arith.constant 0 : i32
      %dma_start3A_9 = tpu.memref_slice %arg6[%arg0, %dma_start3A, %dma_start3A_8] : memref<2x10240x128xf32, #tpu.memory_space<hbm>> -> memref<1x10240x128xf32, #tpu.memory_space<hbm>>
      %dma_start3A_10 = tpu.memref_squeeze %dma_start3A_9 : memref<1x10240x128xf32, #tpu.memory_space<hbm>> -> memref<10240x128xf32, #tpu.memory_space<hbm>>
      %dma_start3A_11 = arith.constant 0 : i32
      %dma_start3A_12 = tpu.memref_slice %dma_start3A_10[%mul3A_7, %dma_start3A_11] : memref<10240x128xf32, #tpu.memory_space<hbm>> -> memref<640x128xf32, #tpu.memory_space<hbm>>
      %dma_start3A_13 = arith.constant 0 : i32
      %dma_start3A_14 = tpu.memref_slice %arg11[%mul3A_5, %dma_start3A_13] : memref<10240x128xf32, #tpu.memory_space<vmem_shared>> -> memref<640x128xf32, #tpu.memory_space<vmem_shared>>
      tpu.enqueue_dma source(%dma_start3A_14 : memref<640x128xf32, #tpu.memory_space<vmem_shared>>) target(%dma_start3A_12 : memref<640x128xf32, #tpu.memory_space<hbm>>) target_semaphore(%run_scoped3A : memref<!tpu.dma_semaphore, #tpu.memory_space<semaphore_mem>>)
      %dma_wait3A = arith.constant 0 : i32
      %dma_wait3A_15 = arith.constant 0 : i32
      %dma_wait3A_16 = tpu.memref_slice %arg6[%arg0, %dma_wait3A, %dma_wait3A_15] : memref<2x10240x128xf32, #tpu.memory_space<hbm>> -> memref<1x10240x128xf32, #tpu.memory_space<hbm>>
      %dma_wait3A_17 = tpu.memref_squeeze %dma_wait3A_16 : memref<1x10240x128xf32, #tpu.memory_space<hbm>> -> memref<10240x128xf32, #tpu.memory_space<hbm>>
      %dma_wait3A_18 = arith.constant 0 : i32
      %dma_wait3A_19 = tpu.memref_slice %dma_wait3A_17[%mul3A_7, %dma_wait3A_18] : memref<10240x128xf32, #tpu.memory_space<hbm>> -> memref<640x128xf32, #tpu.memory_space<hbm>>
      %dma_wait3A_20 = arith.constant 0 : i32
      %dma_wait3A_21 = tpu.memref_slice %arg11[%mul3A_5, %dma_wait3A_20] : memref<10240x128xf32, #tpu.memory_space<vmem_shared>> -> memref<640x128xf32, #tpu.memory_space<vmem_shared>>
      tpu.wait_dma2 semaphore(%run_scoped3A : memref<!tpu.dma_semaphore, #tpu.memory_space<semaphore_mem>>) src(%dma_wait3A_21 : memref<640x128xf32, #tpu.memory_space<vmem_shared>>) dst(%dma_wait3A_19 : memref<640x128xf32, #tpu.memory_space<hbm>>)
      tpu.yield
    }) : () -> ()
    return
  }
}

module attributes {stable_mosaic.version = 14 : i64} {
  func.func @_mm_body(%arg0: i32, %arg1: memref<1024x32xf32, #tpu.memory_space<vmem>>, %arg2: memref<1024x128xf32, #tpu.memory_space<vmem>>, %arg3: memref<128x128xf32, #tpu.memory_space<vmem>>, %arg4: memref<1024x128xf32, #tpu.memory_space<vmem>>, %arg5: memref<1024x1xf32, #tpu.memory_space<vmem>>) attributes {dimension_semantics = [#tpu.dimension_semantics<arbitrary>], iteration_bounds = array<i64: 10>, scalar_prefetch = 0 : i64, scratch_operands = 0 : i64, tpu.core_type = #tpu.core_type<tc>, window_params = [{transform_indices = @transform_0, window_bounds = array<i64: 1024, 32>}, {transform_indices = @transform_1, window_bounds = array<i64: 1024, 128>}, {pipeline_mode = #tpu.pipeline_mode<synchronous>, transform_indices = @transform_2, window_bounds = array<i64: 128, 128>}, {transform_indices = @transform_3, window_bounds = array<i64: 1024, 128>}, {transform_indices = @transform_4, window_bounds = array<i64: 1024, 1>}]} {
    %get3A = arith.constant 0 : index
    %get3A_0 = arith.constant 0 : index
    %get3A_1 = vector.load %arg1[%get3A, %get3A_0] : memref<1024x32xf32, #tpu.memory_space<vmem>>, vector<1024x32xf32>
    %reduce_sum3A = arith.constant dense<0.000000e+00> : vector<1024xf32>
    %reduce_sum3A_2 = vector.multi_reduction <add>, %get3A_1, %reduce_sum3A [1] : vector<1024x32xf32> to vector<1024xf32>
    %broadcast_in_dim3A = vector.shape_cast %reduce_sum3A_2 : vector<1024xf32> to vector<1024x1xf32>
    %add3A = arith.constant 1.000000e+00 : f32
    %add3A_3 = vector.broadcast %add3A : f32 to vector<1024x1xf32>
    %add3A_4 = arith.addf %broadcast_in_dim3A, %add3A_3 : vector<1024x1xf32>
    %rsqrt3A = math.rsqrt %add3A_4 : vector<1024x1xf32>
    %get3A_5 = arith.constant 0 : index
    %get3A_6 = arith.constant 0 : index
    %get3A_7 = vector.load %arg2[%get3A_5, %get3A_6] : memref<1024x128xf32, #tpu.memory_space<vmem>>, vector<1024x128xf32>
    %get3A_8 = arith.constant 0 : index
    %get3A_9 = arith.constant 0 : index
    %get3A_10 = vector.load %arg3[%get3A_8, %get3A_9] : memref<128x128xf32, #tpu.memory_space<vmem>>, vector<128x128xf32>
    %dot_general3A = arith.constant dense<0.000000e+00> : vector<1024x128xf32>
    %dot_general3A_11 = tpu.matmul %get3A_7, %get3A_10, %dot_general3A {dimension_numbers = #tpu.dot_dimension_numbers<[1], [0], [0], [1], [0, 0, 1, 1], [], []>, transpose_lhs_hint = false} : vector<1024x128xf32>, vector<128x128xf32>, vector<1024x128xf32> -> vector<1024x128xf32>
    %mul3A = vector.broadcast %rsqrt3A : vector<1024x1xf32> to vector<1024x128xf32>
    %mul3A_12 = arith.mulf %dot_general3A_11, %mul3A : vector<1024x128xf32>
    %swap3A = arith.constant 0 : index
    %swap3A_13 = arith.constant 0 : index
    %swap3A_14 = vector.load %arg4[%swap3A, %swap3A_13] : memref<1024x128xf32, #tpu.memory_space<vmem>>, vector<1024x128xf32>
    tpu.vector_store %arg4[%swap3A, %swap3A_13], %mul3A_12 {strides = array<i32>} : memref<1024x128xf32, #tpu.memory_space<vmem>>, vector<1024x128xf32>,
    %swap3A_15 = arith.constant 0 : index
    %swap3A_16 = arith.constant 0 : index
    %swap3A_17 = vector.load %arg5[%swap3A_15, %swap3A_16] : memref<1024x1xf32, #tpu.memory_space<vmem>>, vector<1024x1xf32>
    tpu.vector_store %arg5[%swap3A_15, %swap3A_16], %rsqrt3A {strides = array<i32>} : memref<1024x1xf32, #tpu.memory_space<vmem>>, vector<1024x1xf32>,
    return
  }
  func.func @transform_0(%arg0: i32) -> (i32, i32) {
    %c0_i32 = arith.constant 0 : i32
    %c0_i32_0 = arith.constant 0 : i32
    return %arg0, %c0_i32 : i32, i32
  }
  func.func @transform_1(%arg0: i32) -> (i32, i32) {
    %c0_i32 = arith.constant 0 : i32
    %c0_i32_0 = arith.constant 0 : i32
    return %arg0, %c0_i32 : i32, i32
  }
  func.func @transform_2(%arg0: i32) -> (i32, i32) {
    %c0_i32 = arith.constant 0 : i32
    %c0_i32_0 = arith.constant 0 : i32
    %c0_i32_1 = arith.constant 0 : i32
    return %c0_i32, %c0_i32_0 : i32, i32
  }
  func.func @transform_3(%arg0: i32) -> (i32, i32) {
    %c0_i32 = arith.constant 0 : i32
    %c0_i32_0 = arith.constant 0 : i32
    return %arg0, %c0_i32 : i32, i32
  }
  func.func @transform_4(%arg0: i32) -> (i32, i32) {
    %c0_i32 = arith.constant 0 : i32
    %c0_i32_0 = arith.constant 0 : i32
    return %arg0, %c0_i32 : i32, i32
  }
}

module attributes {stable_mosaic.version = 14 : i64} {
  func.func @_head_body(%arg0: i32, %arg1: memref<1024x128xf32, #tpu.memory_space<vmem>>, %arg2: memref<1024x128xf32, #tpu.memory_space<vmem>>, %arg3: memref<1024x128xf32, #tpu.memory_space<vmem>>, %arg4: memref<1024x1xf32, #tpu.memory_space<vmem>>, %arg5: memref<1x1024xi32, #tpu.memory_space<vmem>>, %arg6: memref<1x128xf32, #tpu.memory_space<vmem>>, %arg7: memref<128x2xf32, #tpu.memory_space<vmem>>, %arg8: memref<1x2xf32, #tpu.memory_space<vmem>>, %arg9: memref<64x2xf32, #tpu.memory_space<vmem>>, %arg10: memref<64x128xf32, #tpu.memory_space<vmem>>, %arg11: memref<64x1xf32, #tpu.memory_space<vmem>>) attributes {dimension_semantics = [#tpu.dimension_semantics<arbitrary>], iteration_bounds = array<i64: 10>, scalar_prefetch = 0 : i64, scratch_operands = 2 : i64, tpu.core_type = #tpu.core_type<tc>, window_params = [{transform_indices = @transform_0, window_bounds = array<i64: 1024, 128>}, {transform_indices = @transform_1, window_bounds = array<i64: 1024, 128>}, {transform_indices = @transform_2, window_bounds = array<i64: 1024, 128>}, {transform_indices = @transform_3, window_bounds = array<i64: 1024, 1>}, {transform_indices = @transform_4, window_bounds = array<i64: 1, 1024>}, {pipeline_mode = #tpu.pipeline_mode<synchronous>, transform_indices = @transform_5, window_bounds = array<i64: 1, 128>}, {pipeline_mode = #tpu.pipeline_mode<synchronous>, transform_indices = @transform_6, window_bounds = array<i64: 128, 2>}, {pipeline_mode = #tpu.pipeline_mode<synchronous>, transform_indices = @transform_7, window_bounds = array<i64: 1, 2>}, {pipeline_mode = #tpu.pipeline_mode<synchronous>, transform_indices = @transform_8, window_bounds = array<i64: 64, 2>}]} {
    %eq3A = arith.constant 0 : i32
    %eq3A_0 = arith.cmpi eq, %arg0, %eq3A : i32
    %convert_element_type3A = arith.extui %eq3A_0 : i1 to i32
    %cond3A = arith.constant 0 : i32
    %cond3A_1 = arith.cmpi ne, %convert_element_type3A, %cond3A : i32
    scf.if %cond3A_1 {
      %broadcast_in_dim3A_50 = arith.constant 0.000000e+00 : f32
      %broadcast_in_dim3A_51 = vector.broadcast %broadcast_in_dim3A_50 : f32 to vector<64x128xf32>
      %swap3A_52 = arith.constant 0 : index
      %swap3A_53 = arith.constant 0 : index
      %swap3A_54 = vector.load %arg10[%swap3A_52, %swap3A_53] : memref<64x128xf32, #tpu.memory_space<vmem>>, vector<64x128xf32>
      tpu.vector_store %arg10[%swap3A_52, %swap3A_53], %broadcast_in_dim3A_51 {strides = array<i32>} : memref<64x128xf32, #tpu.memory_space<vmem>>, vector<64x128xf32>,
      %broadcast_in_dim3A_55 = arith.constant 0.000000e+00 : f32
      %broadcast_in_dim3A_56 = vector.broadcast %broadcast_in_dim3A_55 : f32 to vector<64x1xf32>
      %swap3A_57 = arith.constant 0 : index
      %swap3A_58 = arith.constant 0 : index
      %swap3A_59 = vector.load %arg11[%swap3A_57, %swap3A_58] : memref<64x1xf32, #tpu.memory_space<vmem>>, vector<64x1xf32>
      tpu.vector_store %arg11[%swap3A_57, %swap3A_58], %broadcast_in_dim3A_56 {strides = array<i32>} : memref<64x1xf32, #tpu.memory_space<vmem>>, vector<64x1xf32>,
    } else {
    }
    %get3A = arith.constant 0 : index
    %get3A_2 = arith.constant 0 : index
    %get3A_3 = vector.load %arg4[%get3A, %get3A_2] : memref<1024x1xf32, #tpu.memory_space<vmem>>, vector<1024x1xf32>
    %get3A_4 = arith.constant 0 : index
    %get3A_5 = arith.constant 0 : index
    %get3A_6 = vector.load %arg1[%get3A_4, %get3A_5] : memref<1024x128xf32, #tpu.memory_space<vmem>>, vector<1024x128xf32>
    %get3A_7 = arith.constant 0 : index
    %get3A_8 = arith.constant 0 : index
    %get3A_9 = vector.load %arg2[%get3A_7, %get3A_8] : memref<1024x128xf32, #tpu.memory_space<vmem>>, vector<1024x128xf32>
    %add3A = arith.addf %get3A_6, %get3A_9 : vector<1024x128xf32>
    %get3A_10 = arith.constant 0 : index
    %get3A_11 = arith.constant 0 : index
    %get3A_12 = vector.load %arg3[%get3A_10, %get3A_11] : memref<1024x128xf32, #tpu.memory_space<vmem>>, vector<1024x128xf32>
    %add3A_13 = arith.addf %add3A, %get3A_12 : vector<1024x128xf32>
    %mul3A = vector.broadcast %get3A_3 : vector<1024x1xf32> to vector<1024x128xf32>
    %mul3A_14 = arith.mulf %mul3A, %add3A_13 : vector<1024x128xf32>
    %get3A_15 = arith.constant 0 : index
    %get3A_16 = arith.constant 0 : index
    %get3A_17 = vector.load %arg6[%get3A_15, %get3A_16] : memref<1x128xf32, #tpu.memory_space<vmem>>, vector<1x128xf32>
    %add3A_18 = vector.broadcast %get3A_17 : vector<1x128xf32> to vector<1024x128xf32>
    %add3A_19 = arith.addf %mul3A_14, %add3A_18 : vector<1024x128xf32>
    %max3A = arith.constant 0.000000e+00 : f32
    %max3A_20 = vector.broadcast %max3A : f32 to vector<1024x128xf32>
    %max3A_21 = arith.maximumf %add3A_19, %max3A_20 : vector<1024x128xf32>
    %iota3A = tpu.iota {dimensions = array<i32: 0>} : vector<64x1024xi32>
    %get3A_22 = arith.constant 0 : index
    %get3A_23 = arith.constant 0 : index
    %get3A_24 = vector.load %arg5[%get3A_22, %get3A_23] : memref<1x1024xi32, #tpu.memory_space<vmem>>, vector<1x1024xi32>
    %broadcast_in_dim3A = vector.shape_cast %get3A_24 : vector<1x1024xi32> to vector<1x1024xi32>
    %broadcast_in_dim3A_25 = vector.broadcast %broadcast_in_dim3A : vector<1x1024xi32> to vector<64x1024xi32>
    %eq3A_26 = arith.cmpi eq, %broadcast_in_dim3A_25, %iota3A : vector<64x1024xi32>
    %convert_element_type3A_27 = arith.extui %eq3A_26 : vector<64x1024xi1> to vector<64x1024xi32>
    %convert_element_type3A_28 = arith.sitofp %convert_element_type3A_27 : vector<64x1024xi32> to vector<64x1024xf32>
    %get3A_29 = arith.constant 0 : index
    %get3A_30 = arith.constant 0 : index
    %get3A_31 = vector.load %arg10[%get3A_29, %get3A_30] : memref<64x128xf32, #tpu.memory_space<vmem>>, vector<64x128xf32>
    %dot_general3A = arith.constant dense<0.000000e+00> : vector<64x128xf32>
    %dot_general3A_32 = tpu.matmul %convert_element_type3A_28, %max3A_21, %dot_general3A {dimension_numbers = #tpu.dot_dimension_numbers<[1], [0], [0], [1], [0, 0, 1, 1], [], []>, transpose_lhs_hint = false} : vector<64x1024xf32>, vector<1024x128xf32>, vector<64x128xf32> -> vector<64x128xf32>
    %add3A_33 = arith.addf %get3A_31, %dot_general3A_32 : vector<64x128xf32>
    %swap3A = arith.constant 0 : index
    %swap3A_34 = arith.constant 0 : index
    %swap3A_35 = vector.load %arg10[%swap3A, %swap3A_34] : memref<64x128xf32, #tpu.memory_space<vmem>>, vector<64x128xf32>
    tpu.vector_store %arg10[%swap3A, %swap3A_34], %add3A_33 {strides = array<i32>} : memref<64x128xf32, #tpu.memory_space<vmem>>, vector<64x128xf32>,
    %get3A_36 = arith.constant 0 : index
    %get3A_37 = arith.constant 0 : index
    %get3A_38 = vector.load %arg11[%get3A_36, %get3A_37] : memref<64x1xf32, #tpu.memory_space<vmem>>, vector<64x1xf32>
    %reduce_sum3A = arith.constant dense<0.000000e+00> : vector<64xf32>
    %reduce_sum3A_39 = vector.multi_reduction <add>, %convert_element_type3A_28, %reduce_sum3A [1] : vector<64x1024xf32> to vector<64xf32>
    %broadcast_in_dim3A_40 = vector.shape_cast %reduce_sum3A_39 : vector<64xf32> to vector<64x1xf32>
    %add3A_41 = arith.addf %get3A_38, %broadcast_in_dim3A_40 : vector<64x1xf32>
    %swap3A_42 = arith.constant 0 : index
    %swap3A_43 = arith.constant 0 : index
    %swap3A_44 = vector.load %arg11[%swap3A_42, %swap3A_43] : memref<64x1xf32, #tpu.memory_space<vmem>>, vector<64x1xf32>
    tpu.vector_store %arg11[%swap3A_42, %swap3A_43], %add3A_41 {strides = array<i32>} : memref<64x1xf32, #tpu.memory_space<vmem>>, vector<64x1xf32>,
    %eq3A_45 = arith.constant 9 : i32
    %eq3A_46 = arith.cmpi eq, %arg0, %eq3A_45 : i32
    %convert_element_type3A_47 = arith.extui %eq3A_46 : i1 to i32
    %cond3A_48 = arith.constant 0 : i32
    %cond3A_49 = arith.cmpi ne, %convert_element_type3A_47, %cond3A_48 : i32
    scf.if %cond3A_49 {
      %get3A_50 = arith.constant 0 : index
      %get3A_51 = arith.constant 0 : index
      %get3A_52 = vector.load %arg10[%get3A_50, %get3A_51] : memref<64x128xf32, #tpu.memory_space<vmem>>, vector<64x128xf32>
      %get3A_53 = arith.constant 0 : index
      %get3A_54 = arith.constant 0 : index
      %get3A_55 = vector.load %arg11[%get3A_53, %get3A_54] : memref<64x1xf32, #tpu.memory_space<vmem>>, vector<64x1xf32>
      %max3A_56 = arith.constant 1.000000e+00 : f32
      %max3A_57 = vector.broadcast %max3A_56 : f32 to vector<64x1xf32>
      %max3A_58 = arith.maximumf %get3A_55, %max3A_57 : vector<64x1xf32>
      %div3A = vector.broadcast %max3A_58 : vector<64x1xf32> to vector<64x128xf32>
      %div3A_59 = arith.divf %get3A_52, %div3A : vector<64x128xf32>
      %get3A_60 = arith.constant 0 : index
      %get3A_61 = arith.constant 0 : index
      %get3A_62 = vector.load %arg7[%get3A_60, %get3A_61] : memref<128x2xf32, #tpu.memory_space<vmem>>, vector<128x2xf32>
      %dot_general3A_63 = arith.constant dense<0.000000e+00> : vector<64x2xf32>
      %dot_general3A_64 = tpu.matmul %div3A_59, %get3A_62, %dot_general3A_63 {dimension_numbers = #tpu.dot_dimension_numbers<[1], [0], [0], [1], [0, 0, 1, 1], [], []>, transpose_lhs_hint = false} : vector<64x128xf32>, vector<128x2xf32>, vector<64x2xf32> -> vector<64x2xf32>
      %get3A_65 = arith.constant 0 : index
      %get3A_66 = arith.constant 0 : index
      %get3A_67 = vector.load %arg8[%get3A_65, %get3A_66] : memref<1x2xf32, #tpu.memory_space<vmem>>, vector<1x2xf32>
      %add3A_68 = vector.broadcast %get3A_67 : vector<1x2xf32> to vector<64x2xf32>
      %add3A_69 = arith.addf %dot_general3A_64, %add3A_68 : vector<64x2xf32>
      %reduce_max3A = arith.constant dense<0xFF800000> : vector<64xf32>
      %reduce_max3A_70 = vector.multi_reduction <maximumf>, %add3A_69, %reduce_max3A [1] : vector<64x2xf32> to vector<64xf32>
      %broadcast_in_dim3A_71 = vector.shape_cast %reduce_max3A_70 : vector<64xf32> to vector<64x1xf32>
      %sub3A = vector.broadcast %broadcast_in_dim3A_71 : vector<64x1xf32> to vector<64x2xf32>
      %sub3A_72 = arith.subf %add3A_69, %sub3A : vector<64x2xf32>
      %exp3A = math.exp %sub3A_72 : vector<64x2xf32>
      %reduce_sum3A_73 = arith.constant dense<0.000000e+00> : vector<64xf32>
      %reduce_sum3A_74 = vector.multi_reduction <add>, %exp3A, %reduce_sum3A_73 [1] : vector<64x2xf32> to vector<64xf32>
      %broadcast_in_dim3A_75 = vector.shape_cast %reduce_sum3A_74 : vector<64xf32> to vector<64x1xf32>
      %log3A = math.log %broadcast_in_dim3A_75 : vector<64x1xf32>
      %add3A_76 = arith.addf %broadcast_in_dim3A_71, %log3A : vector<64x1xf32>
      %sub3A_77 = vector.broadcast %add3A_76 : vector<64x1xf32> to vector<64x2xf32>
      %sub3A_78 = arith.subf %add3A_69, %sub3A_77 : vector<64x2xf32>
      %swap3A_79 = arith.constant 0 : index
      %swap3A_80 = arith.constant 0 : index
      %swap3A_81 = vector.load %arg9[%swap3A_79, %swap3A_80] : memref<64x2xf32, #tpu.memory_space<vmem>>, vector<64x2xf32>
      tpu.vector_store %arg9[%swap3A_79, %swap3A_80], %sub3A_78 {strides = array<i32>} : memref<64x2xf32, #tpu.memory_space<vmem>>, vector<64x2xf32>,
    } else {
    }
    return
  }
  func.func @transform_0(%arg0: i32) -> (i32, i32) {
    %c0_i32 = arith.constant 0 : i32
    %c0_i32_0 = arith.constant 0 : i32
    return %arg0, %c0_i32 : i32, i32
  }
  func.func @transform_1(%arg0: i32) -> (i32, i32) {
    %c0_i32 = arith.constant 0 : i32
    %c0_i32_0 = arith.constant 0 : i32
    return %arg0, %c0_i32 : i32, i32
  }
  func.func @transform_2(%arg0: i32) -> (i32, i32) {
    %c0_i32 = arith.constant 0 : i32
    %c0_i32_0 = arith.constant 0 : i32
    return %arg0, %c0_i32 : i32, i32
  }
  func.func @transform_3(%arg0: i32) -> (i32, i32) {
    %c0_i32 = arith.constant 0 : i32
    %c0_i32_0 = arith.constant 0 : i32
    return %arg0, %c0_i32 : i32, i32
  }
  func.func @transform_4(%arg0: i32) -> (i32, i32) {
    %c0_i32 = arith.constant 0 : i32
    %c0_i32_0 = arith.constant 0 : i32
    return %c0_i32, %arg0 : i32, i32
  }
  func.func @transform_5(%arg0: i32) -> (i32, i32) {
    %c0_i32 = arith.constant 0 : i32
    %c0_i32_0 = arith.constant 0 : i32
    %c0_i32_1 = arith.constant 0 : i32
    return %c0_i32, %c0_i32_0 : i32, i32
  }
  func.func @transform_6(%arg0: i32) -> (i32, i32) {
    %c0_i32 = arith.constant 0 : i32
    %c0_i32_0 = arith.constant 0 : i32
    %c0_i32_1 = arith.constant 0 : i32
    return %c0_i32, %c0_i32_0 : i32, i32
  }
  func.func @transform_7(%arg0: i32) -> (i32, i32) {
    %c0_i32 = arith.constant 0 : i32
    %c0_i32_0 = arith.constant 0 : i32
    %c0_i32_1 = arith.constant 0 : i32
    return %c0_i32, %c0_i32_0 : i32, i32
  }
  func.func @transform_8(%arg0: i32) -> (i32, i32) {
    %c0_i32 = arith.constant 0 : i32
    %c0_i32_0 = arith.constant 0 : i32
    %c0_i32_1 = arith.constant 0 : i32
    return %c0_i32, %c0_i32_0 : i32, i32
  }
}

</mosaic_0001>

<sc_bundles>
// kernel: kernel.6.cloned.1.call-start
scs
__scs_entry_jumppad:
0x0: {  	(pc) =	sbr.rel $0x88, $3  }
0x1: {  	(tag) =	ssettag $0x0;
	lr =	simm.s32 $0x1  }
0x2: {  	[smem:$0x3F9A] =	sst lr;
	_ =	strace $0xD0000000  }
0x3: {  	_ = 	snop  }
0x4: {  	_ = 	snop  }
0x5: {  	_ = 	snop  }
0x6: {  	_ = 	snop  }
0x7: {  	_ = 	snop  }
__scs_overlays_trampoline_lowered:
0x8: {  	[smem:$0x3FA9] =	sst s0  }
0x9: {  	[smem:$0x3FAA] =	sst s1  }
0xa: {  	[smem:$0x3FAB] =	sst s2  }
0xb: {  	[smem:$0x3FAC] =	sst s3  }
0xc: {  	[smem:$0x3FAD] =	sst s4  }
0xd: {  	[smem:$0x3FAE] =	sst s5  }
0xe: {  	[smem:$0x3FAF] =	sst s6  }
0xf: {  	[smem:$0x3FB0] =	sst s7  }
0x10: {  	[smem:$0x3FB1] =	sst s8  }
0x11: {  	[smem:$0x3FB2] =	sst s9;
	s0 =	simm.s32 @!p0 $0x0  }
0x12: {  	s1 =	sld [smem:$0x3F98];
	s0 =	simm.s32 @p0 $0x1  }
0x13: {  	[smem:$0x3FB3] =	sst s0;
	s0 =	simm.s32 @!p1 $0x0  }
0x14: {  	s2 =	sld [smem:$0x3F97];
	s0 =	simm.s32 @p1 $0x1  }
0x15: {  	[smem:$0x3FB4] =	sst s0;
	s0 =	simm.s32 @!p2 $0x0  }
0x16: {  	s3 =	sld [smem:$0x3FDB];
	s0 =	simm.s32 @p2 $0x1  }
0x17: {  	s4 =	simm.s32 $0x1BF5;
	[smem:$0x3FB6] =	sst s0  }
0x18: {  	s0 =	sld [smem:$0x3F99];
	_ =	swait.ge [sflag:s4], $0x0  }
0x19: {  	s7 =	sld [smem:$0x3F9A]  }
0x1a: {  	s8 =	sadd.s32 $0xFFFFE003, lr  }
0x1b: {  	s9 =	sadd.s32 $0xFFFFFEF7, lr;
	s5 =	simm.s32 $0xFFFFFFFF;
	p2 =	slt.u32 s8, $0xFFFFF086  }
0x1c: {  	p1 =	slt.u32 s9, $0xF7A;
	s5 =	simm.s32 @!p2 $0x0  }
0x1d: {  	s5 =	simm.s32 @p1 $0x1;
	p0 =	seq.s32 s7, s2  }
0x1e: {  	s7 =	smul.u32 @!p0 $0xF7A, s2;
	p2 =	seq.s32 @!p0 s5, $0x0  }
0x1f: {  	s9 =	smul.u32 $0xF7A, s1;
	s8 =	simm.s32 @!p0 $0x1BF5;
	p2 =	por !p2, p0  }
0x20: {  	[sflag:s8] =	ssyncset.s32 @!p0 $0xFFFFF086;
	s6 =	sadd.s32 @!p0 s3, s7;
	s7 =	simm.s32 @!p0 $0x108  }
0x21: {  	s3 =	sadd.s32 s3, s9;
	s6 =	sadd.s32 @!p0 $0x88, s6;
	s7 =	simm.s32 @p2 $0x1082  }
0x22: {  	[simem:s7], [sflag:s8] =	dma.local @!p0 [hbm:s6], $0xF7A  }
0x23: {  	s9 =	sor.u32 $0xD0000000, s2;
	s6 =	simm.s32 $0x108;
	_ =	swait.ge @!p0 [sflag:s8], $0x0  }
0x24: {  	s3 =	sadd.s32 $0x88, s3;
	s6 =	simm.s32 @!p1 $0x1082;
	[sflag:s4] =	ssyncset.s32 $0xFFFFF086  }
0x25: {  	[simem:s6], [sflag:s4] =	dma.local [hbm:s3], $0xF7A  }
0x26: {  	[smem:$0x3F9A] =	sst s1;
	(tag) =	ssettag s2;
	_ =	strace s9  }
0x27: {  	s1 =	sld [smem:$0x3FAA]  }
0x28: {  	s2 =	sld [smem:$0x3FAB]  }
0x29: {  	s4 =	sld [smem:$0x3FAD]  }
0x2a: {  	p0 =	seq.s32 s5, $0x0;
	s5 =	sld [smem:$0x3FAE]  }
0x2b: {  	s6 =	sld [smem:$0x3FAF]  }
0x2c: {  	s7 =	sld [smem:$0x3FB0]  }
0x2d: {  	s3 =	simm.s32 $0x108;
	s8 =	sld [smem:$0x3FB1]  }
0x2e: {  	s3 =	simm.s32 @!p0 $0x1082;
	s9 =	sld [smem:$0x3FB2]  }
0x2f: {  	lr =	sadd.s32 s0, s3;
	s0 =	sld [smem:$0x3FA9]  }
0x30: {  	s3 =	sld [smem:$0x3FAC]  }
0x31: {  	[smem:$0x3FB5] =	sst s10  }
0x32: {  	s10 =	sld [smem:$0x3FB3];
	_ =	sdelay $0x3  }
0x33: {  	p0 =	seq.s32 s10, $0x1;
	s10 =	sld [smem:$0x3FB5];
	_ =	sdelay $0x3  }
0x34: {  	[smem:$0x3FB5] =	sst s10  }
0x35: {  	s10 =	sld [smem:$0x3FB4];
	_ =	sdelay $0x3  }
0x36: {  	p1 =	seq.s32 s10, $0x1;
	s10 =	sld [smem:$0x3FB5];
	_ =	sdelay $0x3  }
0x37: {  	[smem:$0x3FB5] =	sst s10  }
0x38: {  	s10 =	sld [smem:$0x3FB6]  }
0x39: {  	_ = 	snop;
	(pc) =	sbr.ind lr, $3  }
0x3a: {  	_ = 	snop  }
0x3b: {  	_ = 	snop  }
0x3c: {  	p2 =	seq.s32 s10, $0x1;
	s10 =	sld [smem:$0x3FB5]  }
0x3d: {  	_ =	shalt  }
0x3e: {  	_ =	shalt  }
0x3f: {  	_ =	shalt  }
0x40: {  	_ =	shalt  }
0x41: {  	_ =	shalt  }
0x42: {  	_ =	shalt  }
0x43: {  	_ =	shalt  }
0x44: {  	_ =	shalt  }
0x45: {  	_ =	shalt  }
0x46: {  	_ =	shalt  }
0x47: {  	_ =	shalt  }
0x48: {  	_ =	shalt  }
0x49: {  	_ =	shalt  }
0x4a: {  	_ =	shalt  }
0x4b: {  	_ =	shalt  }
0x4c: {  	_ =	shalt  }
0x4d: {  	_ =	shalt  }
0x4e: {  	_ =	shalt  }
0x4f: {  	_ =	shalt  }
0x50: {  	_ =	shalt  }
0x51: {  	_ =	shalt  }
0x52: {  	_ =	shalt  }
0x53: {  	_ =	shalt  }
0x54: {  	_ =	shalt  }
0x55: {  	_ =	shalt  }
0x56: {  	_ =	shalt  }
0x57: {  	_ =	shalt  }
0x58: {  	_ =	shalt  }
0x59: {  	_ =	shalt  }
0x5a: {  	_ =	shalt  }
0x5b: {  	_ =	shalt  }
0x5c: {  	_ =	shalt  }
0x5d: {  	_ =	shalt  }
0x5e: {  	_ =	shalt  }
0x5f: {  	_ =	shalt  }
0x60: {  	_ =	shalt  }
0x61: {  	_ =	shalt  }
0x62: {  	_ =	shalt  }
0x63: {  	_ =	shalt  }
0x64: {  	_ =	shalt  }
0x65: {  	_ =	shalt  }
0x66: {  	_ =	shalt  }
0x67: {  	_ =	shalt  }
0x68: {  	_ =	shalt  }
0x69: {  	_ =	shalt  }
0x6a: {  	_ =	shalt  }
0x6b: {  	_ =	shalt  }
0x6c: {  	_ =	shalt  }
0x6d: {  	_ =	shalt  }
0x6e: {  	_ =	shalt  }
0x6f: {  	_ =	shalt  }
0x70: {  	_ =	shalt  }
0x71: {  	_ =	shalt  }
0x72: {  	_ =	shalt  }
0x73: {  	_ =	shalt  }
0x74: {  	_ =	shalt  }
0x75: {  	_ =	shalt  }
0x76: {  	_ =	shalt  }
0x77: {  	_ =	shalt  }
0x78: {  	_ =	shalt  }
0x79: {  	_ =	shalt  }
0x7a: {  	_ =	shalt  }
0x7b: {  	_ =	shalt  }
0x7c: {  	_ =	shalt  }
0x7d: {  	_ =	shalt  }
0x7e: {  	_ =	shalt  }
0x7f: {  	_ =	shalt  }
0x80: {  	_ =	shalt  }
0x81: {  	_ =	shalt  }
0x82: {  	_ =	shalt  }
0x83: {  	_ =	shalt  }
0x84: {  	_ =	shalt  }
0x85: {  	_ =	shalt  }
0x86: {  	_ =	shalt  }
0x87: {  	_ =	shalt  }
.Lfunc_end0:
.L_simem_size_0:
called_computation_lowered:
.L_overlay_start_0:
0x88: {  	s2 =	sld [smem:$0x3FD9]  }
0x89: {  	s3 =	sld [smem:$0x3FFE];
	_ =	sdelay $0x1  }
0x8a: {  	s1 =	srdreg.scid  }
0x8b: {  	s0 =	sand.u32 $0x1, s1  }
0x8c: {  	s16 =	sshll.u32 s0, $0xA;
	s2 =	sadd.s32 s3, s2  }
0x8d: {  	s2 =	sadd.s32 s2, s16  }
0x8e: {  	[smem:$0x3FC1] =	sst s2  }
0x8f: {  	_ = 	snop  }
0x90: {  	(tm) =	ssettm $0x1  }
0x91: {  	s17 =	sld [smem:$0x3FFB];
	_ =	sdelay $0x3  }
0x92: {  	_ =	strace s17  }
0x93: {  	s2 =	sld [smem:$0x3FFC];
	_ =	sdelay $0x3  }
0x94: {  	_ =	strace s2  }
0x95: {  	s2 =	sld [smem:$0x3FFD];
	_ =	sdelay $0x3  }
0x96: {  	_ =	strace s2  }
0x97: {  	_ =	strace $0x8FFFFFFF  }
0x98: {  	s18 =	sld [smem:$0x3FDB];
	_ =	sdelay $0x1  }
0x99: {  	s19 =	simm.s32 $_scs_section_size  }
0x9a: {  	s4 =	simm.s32 $_size__tile_overlayer_lowered;
	s5 =	simm.s32 $_tile_overlayer_lowered  }
0x9b: {  	s22 =	simm.s32 $0x1BFF;
	s21 =	sshll.u32 s5, $0x1;
	s2 =	sadd.s32 s19, s18  }
0x9c: {  	s6 =	simm.s32 $0x0;
	s20 =	sshll.u32 s4, $0x1;
	s4 =	sadd.s32 s21, s2  }
0x9d: {  	[timem:s6], [sflag:s22] =	dma.local [hbm:s4], s20  }
0x9e: {  	_ =	swait.ge [sflag:s22], s20  }
0x9f: {  	s3 =	ssub.s32 $0x0, s20;
	[sflag:s22] =	ssyncset.done $0x0  }
0xa0: {  	[sflag:s22] =	ssyncadd.s32 s3;
	_ =	sdelay $0x1  }
0xa1: {  	s23 =	simm.s32 $0x1B8B  }
0xa2: {  	_ =	swait.ge [sflag:s23], $0x1  }
0xa3: {  	[sflag:s23] =	ssyncset.done $0x0  }
0xa4: {  	s25 =	simm.s32 $0x1B8E;
	s24 =	sld [smem:$0x3FFE];
	[sflag:s23] =	ssyncadd.s32 $0xFFFFFFFF  }
0xa5: {  	s26 =	simm.s32 $execute0_lowered;
	[smem:$0x3FD2] =	sst s25  }
0xa6: {  	s4 =	sshll.u32 s26, $0x1;
	_ =	strace $0x80000046;
	[dreg:$0x1] =	wrdreg $0xFFFFFFFF  }
0xa7: {  	s28 =	simm.s32 $_size_execute0_lowered;
	s2 =	sadd.s32 s2, s4;
	[dreg:$0x0] =	wrdreg $0x0  }
0xa8: {  	s4 =	sshll.u32 s28, $0x1;
	[dreg:$0x2] =	wrdreg s2  }
0xa9: {  	[dreg:$0x3] =	wrdreg s4  }
0xaa: {  	[dreg:$0x4] =	wrdreg $0xC0  }
0xab: {  	_ =	task [dreg:s6], $0x5FFFF  }
0xac: {  	[dreg:$0x1] =	wrdreg $0xFFFFFFFF  }
0xad: {  	[dreg:$0x0] =	wrdreg $0x60  }
0xae: {  	[dreg:$0x2] =	wrdreg s24  }
0xaf: {  	[dreg:$0x3] =	wrdreg $0x9  }
0xb0: {  	_ =	task.clear_ibuf [dreg:s6], $0x4FFFF;
	_ =	strace $0x90000046  }
0xb1: {  	s29 =	simm.s32 $0x9;
	_ =	strace $0x80000048  }
0xb2: {  	_ =	swait.ge [sflag:s29], $0x1  }
0xb3: {  	[sflag:s29] =	ssyncadd.s32 $0xFFFFFFFF  }
0xb4: {  	_ =	strace $0x90000048  }
0xb5: {  	_ =	sfence  }
0xb6: {  	s30 =	sld [smem:$0x0];
	_ =	sdelay $0x2  }
0xb7: {  	s31 =	sshll.u32 s1, $0xD;
	s1 =	sshrl.u32 s1, $0x2  }
0xb8: {  	s3 =	sand.u32 $0x4000, s31;
	s1 =	sadd.s32 s1, s30  }
0xb9: {  	s0 =	sor.u32 s3, s0;
	s1 =	sshll.u32 s1, $0x11  }
0xba: {  	s0 =	sor.u32 s1, s0  }
0xbb: {  	s0 =	sadd.s32 $0x8F2B, s0  }
0xbc: {  	[sflag:s0] =	ssyncadd.remote.s32 $0x1  }
0xbd: {  	_ =	sfence.sel $0xFFFF  }
0xbe: {  	[dreg:$0x0] =	wrdreg $0xFFFFFFFF;
	(pc) =	sbr.abs _section_cstart, $3  }
0xbf: {  	[dreg:$0x1] =	wrdreg $0xFFFFFFFF  }
0xc0: {  	_ =	task.clear_ibuf [dreg:s6], $0x2FFFF;
	_ =	strace $0x9FFFFFFF  }
0xc1: {  	(tm) =	ssettm $0x7FFFFFFF  }
tec
execute0_lowered:
.L_overlay_start_1:
0x0: {  	(tag) =	ssettag $0x1  }
0x1: {  	s0 =	srdreg.scid  }
0x2: {  	s5 =	rddreg [dreg:$0x0];
	s3 =	sand.u32 $0x1, s0  }
0x3: {  	s2 =	simm.s32 $0x0;
	s0 =	stileid.u32;
	s1 =	sshll.u32 s3, $0x4  }
0x4: {  	s8 =	simm.s32 $0x1;
	s9 =	simm.s32 $0x2780;
	s4 =	sor.u32 s0, s1  }
0x5: {  	s10 =	simm.s32 $0x0;
	s1 =	sshrl.u32 s4, $0x3;
	s4 =	smul.u32 $0x2800, s4  }
0x6: {  	s7 =	sshll.u32 s0, $0x7;
	s3 =	ssub.s32 $0x2, s3;
	s6 =	smul.u32 $0x13C00, s1  }
0x7: {  	[smem:$0x7FF] =	sst s2;
	s7 =	sand.u32 $0x380, s7;
	s31 =	sshrl.u32 s3, $0x1  }
0x8: {  	s1 =	rddreg [dreg:$0x1];
	s4 =	sadd.s32 s4, s5;
	s6 =	sor.u32 s7, s6  }
0x9: {  	_ =	strace $0x80000047;
	s4 =	sadd.s32 $0xBE00, s4;
	s6 =	sshrl.u32 s6, $0x3  }
0xa: {  	s7 =	simm.s32 $0x400;
	s6 =	sadd.s32 s6, s5;
	s5 =	ssub.s32 s3, s31  }
0xb: {  	v0 =	vimm.f32 $0.0e+00;
	v1 =	vimm.f32 $1.000000000e+00;
	s3 =	sadd.s32 $0x2000, s6;
	s5 =	smax.u32 s5, $0x1;
	s6 =	simm.s32 $0x80  }
.LBB2_1:
0xc: {  	[tilespmem:s2], [sflag:$0x1] =	stream.strided.gather [hbm4b:s3+s6], $0x2780, s7, s6, $0x38;
	[tilespmem:$0x16780] =	vst v63  }
0xd: {  	_ =	swait.ge [sflag:s8], $0x2780  }
0xe: {  	[sflag:s8] =	ssyncset.done $0x0  }
0xf: {  	s11 =	simm.s32 $0x0;
	[sflag:s8] =	ssyncadd.s32 $0xFFFFD880  }
.LBB2_2:
0x10: {  	p0 =	sne.s32 s11, $0x4FE00  }
.Ltmp0:
0x11: {  	_ = 	snop;
	(pc) =	sbr.rel @p0 .LBB2_2-.Ltmp0, $3  }
0x12: {  	_ =	sdelay $0x1  }
0x13: {  	s12 =	sshra.s32 s11, $0x2  }
0x14: {  	s11 =	sadd.s32 $0x200, s11;
	[tilespmem:s12+$0x2780] =	vst v0  }
0x15: {  	s12 =	simm.s32 $0x0;
	s11 =	simm.s32 $0x40  }
.LBB2_4:
0x16: {  	p0 =	sne.s32 s11, $0x9C00;
	v2 =	vld [tilespmem:s12+$0x0];
	_ =	sdelay $0x4  }
0x17: {  	v3 =	vshll.u32 v2, $0x3  }
0x18: {  	v2 =	vand.u32 $0xF, v2;
	v3 =	vand.u32 $0xFFFFFF80, v3  }
0x19: {  	v2 =	vor.u32 v2, v3  }
.Ltmp1:
0x1a: {  	(pc) =	sbr.rel @p0 .LBB2_4-.Ltmp1, $2  }
0x1b: {  	_ =	sdelay $0x2  }
0x1c: {  	s12 =	sshra.s32 s11, $0x2;
	s11 =	sadd.s32 $0x40, s11;
	[tilespmem:v2+s9+$0x0] =	vst.idx.add.f32.msk $0xffff, v1  }
0x1d: {  	v2 =	vld [tilespmem:s12+$0x0];
	_ =	sdelay $0x4  }
0x1e: {  	v3 =	vshll.u32 v2, $0x3  }
0x1f: {  	v2 =	vand.u32 $0xF, v2;
	v3 =	vand.u32 $0xFFFFFF80, v3  }
0x20: {  	v2 =	vor.u32 v2, v3;
	_ =	sdelay $0x2  }
0x21: {  	s10 =	sadd.s32 $0x1, s10  }
0x22: {  	p0 =	sne.s32 s10, s5  }
.Ltmp2:
0x23: {  	[tilespmem:v2+s9+$0x0] =	vst.idx.add.f32.msk $0xffff, v1;
	(pc) =	sbr.rel @p0 .LBB2_1-.Ltmp2, $4  }
0x24: {  	[hbm4b:s4+s2] =	stream.linear.scatter [tilespmem:s9], [sflag:$0x1], $0x14000, $0x38;
	[tilespmem:$0x16780] =	vst v63  }
0x25: {  	_ =	swait.ge [sflag:s8], $0x14000  }
0x26: {  	[sflag:s8] =	ssyncset.done $0x0  }
0x27: {  	[sflag:s8] =	ssyncadd.s32 $0xFFFEC000  }
0x28: {  	_ =	sfence.sel $0x180000  }
0x29: {  	[bflag:$0x0] =	sbarrier.arrive $0xFFFF  }
0x2a: {  	p0 =	sne.s32 s0, $0x0;
	_ =	strace $0x90000047  }
0x2b: {  	s0 =	sadd.s32 @!p0 $0x100000, s1;
	[bflag:$0x2] =	sbarrier.arrive $0xFFFF  }
0x2c: {  	[sflag:s0] =	ssyncadd.tile.s32 @!p0 $0x1;
	_ =	shalt  }
.Lfunc_end2:
_tile_overlayer_lowered:
.L_overlay_start_2:
0x2d: {  	(tag) =	ssettag $0x2  }
0x2e: {  	s0 =	rddreg [dreg:$0x0];
	s2 =	stileid.u32  }
0x2f: {  	s1 =	rddreg [dreg:$0x1];
	p0 =	sne.s32 s2, $0x0  }
0x30: {  	s3 =	rddreg [dreg:$0x2];
	[bflag:$0x3] =	sbarrier.arrive $0xFFFF;
	s2 =	simm.s32 @!p0 $0x1C01  }
0x31: {  	[timem:s3], [sflag:s2] =	dma.local @!p0 [hbm:s0], s1  }
0x32: {  	s0 =	simm.s32 @!p0 $0x1  }
0x33: {  	_ =	swait.ge @!p0 [sflag:s0], s1  }
0x34: {  	s1 =	ssub.s32 @!p0 $0x0, s1;
	[sflag:s0] =	ssyncset.done @!p0 $0x0  }
0x35: {  	[sflag:s0] =	ssyncadd.s32 @!p0 s1  }
0x36: {  	[bflag:$0x3] =	sbarrier.arrive $0xFFFF  }
0x37: {  	_ =	shalt  }

// kernel: kernel.9.cloned.1.call-start
scs
__scs_entry_jumppad:
0x0: {  	(pc) =	sbr.rel $0x88, $3  }
0x1: {  	(tag) =	ssettag $0x0;
	lr =	simm.s32 $0x1  }
0x2: {  	[smem:$0x3F9A] =	sst lr;
	_ =	strace $0xD0000000  }
0x3: {  	_ = 	snop  }
0x4: {  	_ = 	snop  }
0x5: {  	_ = 	snop  }
0x6: {  	_ = 	snop  }
0x7: {  	_ = 	snop  }
__scs_overlays_trampoline_lowered:
0x8: {  	[smem:$0x3FA9] =	sst s0  }
0x9: {  	[smem:$0x3FAA] =	sst s1  }
0xa: {  	[smem:$0x3FAB] =	sst s2  }
0xb: {  	[smem:$0x3FAC] =	sst s3  }
0xc: {  	[smem:$0x3FAD] =	sst s4  }
0xd: {  	[smem:$0x3FAE] =	sst s5  }
0xe: {  	[smem:$0x3FAF] =	sst s6  }
0xf: {  	[smem:$0x3FB0] =	sst s7  }
0x10: {  	[smem:$0x3FB1] =	sst s8  }
0x11: {  	[smem:$0x3FB2] =	sst s9;
	s0 =	simm.s32 @!p0 $0x0  }
0x12: {  	s1 =	sld [smem:$0x3F98];
	s0 =	simm.s32 @p0 $0x1  }
0x13: {  	[smem:$0x3FB3] =	sst s0;
	s0 =	simm.s32 @!p1 $0x0  }
0x14: {  	s2 =	sld [smem:$0x3F97];
	s0 =	simm.s32 @p1 $0x1  }
0x15: {  	[smem:$0x3FB4] =	sst s0;
	s0 =	simm.s32 @!p2 $0x0  }
0x16: {  	s3 =	sld [smem:$0x3FDB];
	s0 =	simm.s32 @p2 $0x1  }
0x17: {  	s4 =	simm.s32 $0x1BF5;
	[smem:$0x3FB6] =	sst s0  }
0x18: {  	s0 =	sld [smem:$0x3F99];
	_ =	swait.ge [sflag:s4], $0x0  }
0x19: {  	s7 =	sld [smem:$0x3F9A]  }
0x1a: {  	s8 =	sadd.s32 $0xFFFFE003, lr  }
0x1b: {  	s9 =	sadd.s32 $0xFFFFFEF7, lr;
	s5 =	simm.s32 $0xFFFFFFFF;
	p2 =	slt.u32 s8, $0xFFFFF086  }
0x1c: {  	p1 =	slt.u32 s9, $0xF7A;
	s5 =	simm.s32 @!p2 $0x0  }
0x1d: {  	s5 =	simm.s32 @p1 $0x1;
	p0 =	seq.s32 s7, s2  }
0x1e: {  	s7 =	smul.u32 @!p0 $0xF7A, s2;
	p2 =	seq.s32 @!p0 s5, $0x0  }
0x1f: {  	s9 =	smul.u32 $0xF7A, s1;
	s8 =	simm.s32 @!p0 $0x1BF5;
	p2 =	por !p2, p0  }
0x20: {  	[sflag:s8] =	ssyncset.s32 @!p0 $0xFFFFF086;
	s6 =	sadd.s32 @!p0 s3, s7;
	s7 =	simm.s32 @!p0 $0x108  }
0x21: {  	s3 =	sadd.s32 s3, s9;
	s6 =	sadd.s32 @!p0 $0x88, s6;
	s7 =	simm.s32 @p2 $0x1082  }
0x22: {  	[simem:s7], [sflag:s8] =	dma.local @!p0 [hbm:s6], $0xF7A  }
0x23: {  	s9 =	sor.u32 $0xD0000000, s2;
	s6 =	simm.s32 $0x108;
	_ =	swait.ge @!p0 [sflag:s8], $0x0  }
0x24: {  	s3 =	sadd.s32 $0x88, s3;
	s6 =	simm.s32 @!p1 $0x1082;
	[sflag:s4] =	ssyncset.s32 $0xFFFFF086  }
0x25: {  	[simem:s6], [sflag:s4] =	dma.local [hbm:s3], $0xF7A  }
0x26: {  	[smem:$0x3F9A] =	sst s1;
	(tag) =	ssettag s2;
	_ =	strace s9  }
0x27: {  	s1 =	sld [smem:$0x3FAA]  }
0x28: {  	s2 =	sld [smem:$0x3FAB]  }
0x29: {  	s4 =	sld [smem:$0x3FAD]  }
0x2a: {  	p0 =	seq.s32 s5, $0x0;
	s5 =	sld [smem:$0x3FAE]  }
0x2b: {  	s6 =	sld [smem:$0x3FAF]  }
0x2c: {  	s7 =	sld [smem:$0x3FB0]  }
0x2d: {  	s3 =	simm.s32 $0x108;
	s8 =	sld [smem:$0x3FB1]  }
0x2e: {  	s3 =	simm.s32 @!p0 $0x1082;
	s9 =	sld [smem:$0x3FB2]  }
0x2f: {  	lr =	sadd.s32 s0, s3;
	s0 =	sld [smem:$0x3FA9]  }
0x30: {  	s3 =	sld [smem:$0x3FAC]  }
0x31: {  	[smem:$0x3FB5] =	sst s10  }
0x32: {  	s10 =	sld [smem:$0x3FB3];
	_ =	sdelay $0x3  }
0x33: {  	p0 =	seq.s32 s10, $0x1;
	s10 =	sld [smem:$0x3FB5];
	_ =	sdelay $0x3  }
0x34: {  	[smem:$0x3FB5] =	sst s10  }
0x35: {  	s10 =	sld [smem:$0x3FB4];
	_ =	sdelay $0x3  }
0x36: {  	p1 =	seq.s32 s10, $0x1;
	s10 =	sld [smem:$0x3FB5];
	_ =	sdelay $0x3  }
0x37: {  	[smem:$0x3FB5] =	sst s10  }
0x38: {  	s10 =	sld [smem:$0x3FB6]  }
0x39: {  	_ = 	snop;
	(pc) =	sbr.ind lr, $3  }
0x3a: {  	_ = 	snop  }
0x3b: {  	_ = 	snop  }
0x3c: {  	p2 =	seq.s32 s10, $0x1;
	s10 =	sld [smem:$0x3FB5]  }
0x3d: {  	_ =	shalt  }
0x3e: {  	_ =	shalt  }
0x3f: {  	_ =	shalt  }
0x40: {  	_ =	shalt  }
0x41: {  	_ =	shalt  }
0x42: {  	_ =	shalt  }
0x43: {  	_ =	shalt  }
0x44: {  	_ =	shalt  }
0x45: {  	_ =	shalt  }
0x46: {  	_ =	shalt  }
0x47: {  	_ =	shalt  }
0x48: {  	_ =	shalt  }
0x49: {  	_ =	shalt  }
0x4a: {  	_ =	shalt  }
0x4b: {  	_ =	shalt  }
0x4c: {  	_ =	shalt  }
0x4d: {  	_ =	shalt  }
0x4e: {  	_ =	shalt  }
0x4f: {  	_ =	shalt  }
0x50: {  	_ =	shalt  }
0x51: {  	_ =	shalt  }
0x52: {  	_ =	shalt  }
0x53: {  	_ =	shalt  }
0x54: {  	_ =	shalt  }
0x55: {  	_ =	shalt  }
0x56: {  	_ =	shalt  }
0x57: {  	_ =	shalt  }
0x58: {  	_ =	shalt  }
0x59: {  	_ =	shalt  }
0x5a: {  	_ =	shalt  }
0x5b: {  	_ =	shalt  }
0x5c: {  	_ =	shalt  }
0x5d: {  	_ =	shalt  }
0x5e: {  	_ =	shalt  }
0x5f: {  	_ =	shalt  }
0x60: {  	_ =	shalt  }
0x61: {  	_ =	shalt  }
0x62: {  	_ =	shalt  }
0x63: {  	_ =	shalt  }
0x64: {  	_ =	shalt  }
0x65: {  	_ =	shalt  }
0x66: {  	_ =	shalt  }
0x67: {  	_ =	shalt  }
0x68: {  	_ =	shalt  }
0x69: {  	_ =	shalt  }
0x6a: {  	_ =	shalt  }
0x6b: {  	_ =	shalt  }
0x6c: {  	_ =	shalt  }
0x6d: {  	_ =	shalt  }
0x6e: {  	_ =	shalt  }
0x6f: {  	_ =	shalt  }
0x70: {  	_ =	shalt  }
0x71: {  	_ =	shalt  }
0x72: {  	_ =	shalt  }
0x73: {  	_ =	shalt  }
0x74: {  	_ =	shalt  }
0x75: {  	_ =	shalt  }
0x76: {  	_ =	shalt  }
0x77: {  	_ =	shalt  }
0x78: {  	_ =	shalt  }
0x79: {  	_ =	shalt  }
0x7a: {  	_ =	shalt  }
0x7b: {  	_ =	shalt  }
0x7c: {  	_ =	shalt  }
0x7d: {  	_ =	shalt  }
0x7e: {  	_ =	shalt  }
0x7f: {  	_ =	shalt  }
0x80: {  	_ =	shalt  }
0x81: {  	_ =	shalt  }
0x82: {  	_ =	shalt  }
0x83: {  	_ =	shalt  }
0x84: {  	_ =	shalt  }
0x85: {  	_ =	shalt  }
0x86: {  	_ =	shalt  }
0x87: {  	_ =	shalt  }
.Lfunc_end0:
.L_simem_size_0:
called_computation.1_lowered:
.L_overlay_start_0:
0x88: {  	s2 =	sld [smem:$0x3FD9]  }
0x89: {  	s3 =	sld [smem:$0x3FFE];
	_ =	sdelay $0x1  }
0x8a: {  	s1 =	srdreg.scid  }
0x8b: {  	s0 =	sand.u32 $0x1, s1  }
0x8c: {  	s16 =	sshll.u32 s0, $0xA;
	s2 =	sadd.s32 s3, s2  }
0x8d: {  	s2 =	sadd.s32 s2, s16  }
0x8e: {  	[smem:$0x3FC1] =	sst s2  }
0x8f: {  	_ = 	snop  }
0x90: {  	(tm) =	ssettm $0x1  }
0x91: {  	s17 =	sld [smem:$0x3FFB];
	_ =	sdelay $0x3  }
0x92: {  	_ =	strace s17  }
0x93: {  	s2 =	sld [smem:$0x3FFC];
	_ =	sdelay $0x3  }
0x94: {  	_ =	strace s2  }
0x95: {  	s2 =	sld [smem:$0x3FFD];
	_ =	sdelay $0x3  }
0x96: {  	_ =	strace s2  }
0x97: {  	_ =	strace $0x8FFFFFFF  }
0x98: {  	s18 =	sld [smem:$0x3FDB];
	_ =	sdelay $0x1  }
0x99: {  	s19 =	simm.s32 $_scs_section_size  }
0x9a: {  	s4 =	simm.s32 $_size__tile_overlayer_lowered;
	s5 =	simm.s32 $_tile_overlayer_lowered  }
0x9b: {  	s22 =	simm.s32 $0x1BFF;
	s21 =	sshll.u32 s5, $0x1;
	s2 =	sadd.s32 s19, s18  }
0x9c: {  	s6 =	simm.s32 $0x0;
	s20 =	sshll.u32 s4, $0x1;
	s4 =	sadd.s32 s21, s2  }
0x9d: {  	[timem:s6], [sflag:s22] =	dma.local [hbm:s4], s20  }
0x9e: {  	_ =	swait.ge [sflag:s22], s20  }
0x9f: {  	s3 =	ssub.s32 $0x0, s20;
	[sflag:s22] =	ssyncset.done $0x0  }
0xa0: {  	[sflag:s22] =	ssyncadd.s32 s3;
	_ =	sdelay $0x1  }
0xa1: {  	s23 =	simm.s32 $0x1B8B  }
0xa2: {  	_ =	swait.ge [sflag:s23], $0x1  }
0xa3: {  	[sflag:s23] =	ssyncset.done $0x0  }
0xa4: {  	s25 =	simm.s32 $0x1B8E;
	s24 =	sld [smem:$0x3FFE];
	[sflag:s23] =	ssyncadd.s32 $0xFFFFFFFF  }
0xa5: {  	s26 =	simm.s32 $execute0_lowered;
	[smem:$0x3FD2] =	sst s25  }
0xa6: {  	s4 =	sshll.u32 s26, $0x1;
	_ =	strace $0x80000049;
	[dreg:$0x1] =	wrdreg $0xFFFFFFFF  }
0xa7: {  	s28 =	simm.s32 $_size_execute0_lowered;
	s2 =	sadd.s32 s2, s4;
	[dreg:$0x0] =	wrdreg $0x0  }
0xa8: {  	s4 =	sshll.u32 s28, $0x1;
	[dreg:$0x2] =	wrdreg s2  }
0xa9: {  	[dreg:$0x3] =	wrdreg s4  }
0xaa: {  	[dreg:$0x4] =	wrdreg $0xC0  }
0xab: {  	_ =	task [dreg:s6], $0x5FFFF  }
0xac: {  	[dreg:$0x1] =	wrdreg $0xFFFFFFFF  }
0xad: {  	[dreg:$0x0] =	wrdreg $0x60  }
0xae: {  	[dreg:$0x2] =	wrdreg s24  }
0xaf: {  	[dreg:$0x3] =	wrdreg $0x90000  }
0xb0: {  	[dreg:$0x4] =	wrdreg $0x9  }
0xb1: {  	_ =	task.clear_ibuf [dreg:s6], $0x5FFFF;
	_ =	strace $0x90000049  }
0xb2: {  	s29 =	simm.s32 $0x9;
	_ =	strace $0x8000004B  }
0xb3: {  	_ =	swait.ge [sflag:s29], $0x1  }
0xb4: {  	[sflag:s29] =	ssyncadd.s32 $0xFFFFFFFF  }
0xb5: {  	_ =	strace $0x9000004B  }
0xb6: {  	_ =	sfence  }
0xb7: {  	s30 =	sld [smem:$0x0];
	_ =	sdelay $0x2  }
0xb8: {  	s31 =	sshll.u32 s1, $0xD;
	s1 =	sshrl.u32 s1, $0x2  }
0xb9: {  	s3 =	sand.u32 $0x4000, s31;
	s1 =	sadd.s32 s1, s30  }
0xba: {  	s0 =	sor.u32 s3, s0;
	s1 =	sshll.u32 s1, $0x11  }
0xbb: {  	s0 =	sor.u32 s1, s0  }
0xbc: {  	s0 =	sadd.s32 $0x8F2B, s0  }
0xbd: {  	[sflag:s0] =	ssyncadd.remote.s32 $0x1  }
0xbe: {  	_ =	sfence.sel $0xFFFF  }
0xbf: {  	[dreg:$0x0] =	wrdreg $0xFFFFFFFF;
	(pc) =	sbr.abs _section_cstart, $3  }
0xc0: {  	[dreg:$0x1] =	wrdreg $0xFFFFFFFF  }
0xc1: {  	_ =	task.clear_ibuf [dreg:s6], $0x2FFFF;
	_ =	strace $0x9FFFFFFF  }
0xc2: {  	(tm) =	ssettm $0x7FFFFFFF  }
0xc3: {  	_ =	shalt  }
tec
execute0_lowered:
.L_overlay_start_1:
0x0: {  	(tag) =	ssettag $0x1  }
0x1: {  	s0 =	srdreg.scid;
	s1 =	rddreg [dreg:$0x0]  }
0x2: {  	s2 =	rddreg [dreg:$0x1];
	s9 =	stileid.u32;
	s3 =	simm.s32 $0x0  }
0x3: {  	s21 =	simm.s32 $0x80;
	s23 =	simm.s32 $0x100;
	s24 =	simm.s32 $0x880  }
0x4: {  	s25 =	simm.s32 $0x180;
	s16 =	simm.s32 $0x900;
	s10 =	simm.s32 $0x3  }
0x5: {  	s11 =	simm.s32 $0x800;
	s12 =	simm.s32 $0x7D;
	s13 =	simm.s32 $0x1000  }
0x6: {  	s14 =	simm.s32 $0x5000;
	s15 =	simm.s32 $0x2;
	s28 =	simm.s32 $0x680  }
0x7: {  	s29 =	simm.s32 $0xE00;
	[smem:$0x7FF] =	sst s3;
	s7 =	sadd.s32 $0x2A000, s1  }
0x8: {  	s30 =	simm.s32 $0x700;
	_ =	strace $0x8000004A;
	[dreg:$0x12] =	wrdreg s7  }
0x9: {  	s31 =	simm.s32 $0xE80;
	s0 =	sand.u32 $0x1, s0;
	[dreg:$0x5] =	wrdreg s21  }
0xa: {  	s8 =	smul.u32 $0x50000, s9;
	s22 =	sshll.u32 s9, $0x6;
	[dreg:$0x6] =	wrdreg s23  }
0xb: {  	s26 =	smul.u32 $0x2800, s9;
	s4 =	sshll.u32 s0, $0x4;
	[dreg:$0x7] =	wrdreg s24  }
0xc: {  	s6 =	smul.u32 $0x28000, s0;
	s0 =	ssub.s32 $0x2, s0;
	[dreg:$0x8] =	wrdreg s25  }
0xd: {  	[dreg:$0x9] =	wrdreg s16;
	s21 =	simm.s32 $0x300;
	s23 =	simm.s32 $0x380  }
0xe: {  	s25 =	simm.s32 $0xB00;
	s16 =	simm.s32 $0x400;
	s7 =	simm.s32 $0x0  }
0xf: {  	s4 =	sor.u32 s9, s4;
	s17 =	sshrl.u32 s0, $0x1;
	[dreg:$0xe] =	wrdreg s21  }
0x10: {  	s19 =	sshrl.u32 s8, $0x2;
	s8 =	sor.u32 $0x1C01, s22;
	[dreg:$0x10] =	wrdreg s23  }
0x11: {  	s9 =	simm.s32 $0x1;
	s22 =	simm.s32 $0xA80;
	[dreg:$0x11] =	wrdreg s25  }
0x12: {  	s21 =	simm.s32 $0xC80;
	s23 =	simm.s32 $0xD00;
	s25 =	simm.s32 $0x600  }
0x13: {  	s5 =	smul.u32 $0x500, s4;
	s4 =	sadd.s32 $0x2000, s1;
	s0 =	ssub.s32 s0, s17  }
0x14: {  	s20 =	sadd.s32 s19, s2;
	s17 =	simm.s32 $0x200;
	[dreg:$0xf] =	wrdreg s22  }
0x15: {  	s19 =	simm.s32 $0x280;
	s22 =	simm.s32 $0x580;
	[dreg:$0x13] =	wrdreg s8  }
0x16: {  	s0 =	smax.u32 s0, $0x1;
	s24 =	sshrl.u32 s20, $0x3;
	[dreg:$0xa] =	wrdreg s17  }
0x17: {  	[dreg:$0xc] =	wrdreg s19;
	s20 =	simm.s32 $0xA00;
	s17 =	simm.s32 $0xB80  }
0x18: {  	s19 =	simm.s32 $0xC00;
	s5 =	sadd.s32 s5, s1;
	[dreg:$0x14] =	wrdreg s0  }
0x19: {  	s1 =	sadd.s32 s6, s1;
	[dreg:$0xd] =	wrdreg s20;
	s20 =	simm.s32 $0x500  }
0x1a: {  	s0 =	simm.s32 $0x780;
	[dreg:$0x15] =	wrdreg s24;
	s18 =	sadd.s32 $0x65E00, s5  }
0x1b: {  	s5 =	sadd.s32 $0x5BE00, s5;
	s1 =	sadd.s32 $0x6FE00, s1;
	[dreg:$0x3] =	wrdreg s18  }
0x1c: {  	[dreg:$0x4] =	wrdreg s5;
	s18 =	simm.s32 $0x980;
	s26 =	sadd.s32 s26, s1  }
0x1d: {  	s1 =	simm.s32 $0xF00;
	s5 =	simm.s32 $0xF80;
	[dreg:$0xb] =	wrdreg s18  }
0x1e: {  	s18 =	simm.s32 $0x480;
	[dreg:$0x16] =	wrdreg s26;
	s26 =	simm.s32 $0xD80  }
.LBB2_1:
0x1f: {  	[dreg:$0x17] =	wrdreg s7  }
0x20: {  	s6 =	rddreg [dreg:$0x12]  }
0x21: {  	[spmem:s24], [sflag:s8] =	dma.local [hbm:s6], $0x2800  }
0x22: {  	_ =	swait.ge [sflag:s9], $0x2800  }
0x23: {  	[sflag:s9] =	ssyncset.done $0x0  }
0x24: {  	[sflag:s9] =	ssyncadd.s32 $0xFFFFD800  }
0x25: {  	[bflag:$0x0] =	sbarrier.arrive $0xFFFF  }
0x26: {  	s24 =	rddreg [dreg:$0x3]  }
0x27: {  	s6 =	sadd.s32 $0x0, s24  }
0x28: {  	[tilespmem:s3], [sflag:$0x3] =	stream.linear.gather [hbm4b:s6+s3], $0x800, $0x38;
	[tilespmem:$0x1D000] =	vst v63  }
0x29: {  	_ =	swait.ge [sflag:s10], $0x800  }
0x2a: {  	s7 =	rddreg [dreg:$0x4];
	[sflag:s10] =	ssyncset.done $0x0  }
0x2b: {  	[sflag:s10] =	ssyncadd.s32 $0xFFFFF800;
	s6 =	sadd.s32 $0x0, s7  }
0x2c: {  	[tilespmem:s11], [sflag:$0x3] =	stream.linear.gather [hbm4b:s6+s3], $0x800, $0x38;
	[tilespmem:$0x1D000] =	vst v63  }
0x2d: {  	_ =	swait.ge [sflag:s10], $0x800  }
0x2e: {  	[sflag:s10] =	ssyncset.done $0x0  }
0x2f: {  	[sflag:s10] =	ssyncadd.s32 $0xFFFFF800  }
0x30: {  	[tilespmem:s13], [sflag:$0x3] =	stream.indirect.gather [hbm4b:s4+s12], $0x80, s3, s12, $0xb8;
	[tilespmem:$0x1D000] =	vst v63  }
0x31: {  	_ =	swait.ge [sflag:s10], $0x3E80  }
0x32: {  	[sflag:s10] =	ssyncset.done $0x0  }
0x33: {  	s8 =	rddreg [dreg:$0x5];
	[sflag:s10] =	ssyncadd.s32 $0xFFFFC180  }
0x34: {  	[tilespmem:s14], [sflag:$0x2] =	stream.indirect.gather [hbm4b:s4+s12], $0x80, s8, s12, $0xb8;
	[tilespmem:$0x1D000] =	vst v63  }
0x35: {  	_ = 	snop  }
0x36: {  	[spmem:s2] =	stream.indirect.scatter.add.f32 [tilespmem:s13], [sflag:$0x3], $0x80, s11, s12, $0xb8;
	[tilespmem:$0x1D000] =	vst v63  }
0x37: {  	_ =	swait.ge [sflag:s10], $0x3E80  }
0x38: {  	[sflag:s10] =	ssyncset.done $0x0  }
0x39: {  	[sflag:s10] =	ssyncadd.s32 $0xFFFFC180  }
0x3a: {  	_ =	swait.ge [sflag:s15], $0x3E80  }
0x3b: {  	[sflag:s15] =	ssyncset.done $0x0  }
0x3c: {  	s24 =	rddreg [dreg:$0x6];
	[sflag:s15] =	ssyncadd.s32 $0xFFFFC180  }
0x3d: {  	[tilespmem:s13], [sflag:$0x1] =	stream.indirect.gather [hbm4b:s4+s12], $0x80, s24, s12, $0xb8;
	[tilespmem:$0x1D000] =	vst v63  }
0x3e: {  	s7 =	rddreg [dreg:$0x7]  }
0x3f: {  	[spmem:s2] =	stream.indirect.scatter.add.f32 [tilespmem:s14], [sflag:$0x3], $0x80, s7, s12, $0xb8;
	[tilespmem:$0x1D000] =	vst v63  }
0x40: {  	_ =	swait.ge [sflag:s10], $0x3E80  }
0x41: {  	[sflag:s10] =	ssyncset.done $0x0  }
0x42: {  	[sflag:s10] =	ssyncadd.s32 $0xFFFFC180  }
0x43: {  	_ =	swait.ge [sflag:s9], $0x3E80  }
0x44: {  	[sflag:s9] =	ssyncset.done $0x0  }
0x45: {  	s24 =	rddreg [dreg:$0x8];
	[sflag:s9] =	ssyncadd.s32 $0xFFFFC180  }
0x46: {  	[tilespmem:s14], [sflag:$0x2] =	stream.indirect.gather [hbm4b:s4+s12], $0x80, s24, s12, $0xb8;
	[tilespmem:$0x1D000] =	vst v63  }
0x47: {  	s7 =	rddreg [dreg:$0x9]  }
0x48: {  	[spmem:s2] =	stream.indirect.scatter.add.f32 [tilespmem:s13], [sflag:$0x3], $0x80, s7, s12, $0xb8;
	[tilespmem:$0x1D000] =	vst v63  }
0x49: {  	_ =	swait.ge [sflag:s10], $0x3E80  }
0x4a: {  	[sflag:s10] =	ssyncset.done $0x0  }
0x4b: {  	[sflag:s10] =	ssyncadd.s32 $0xFFFFC180  }
0x4c: {  	_ =	swait.ge [sflag:s15], $0x3E80  }
0x4d: {  	[sflag:s15] =	ssyncset.done $0x0  }
0x4e: {  	s24 =	rddreg [dreg:$0xa];
	[sflag:s15] =	ssyncadd.s32 $0xFFFFC180  }
0x4f: {  	[tilespmem:s13], [sflag:$0x1] =	stream.indirect.gather [hbm4b:s4+s12], $0x80, s24, s12, $0xb8;
	[tilespmem:$0x1D000] =	vst v63  }
0x50: {  	s7 =	rddreg [dreg:$0xb]  }
0x51: {  	[spmem:s2] =	stream.indirect.scatter.add.f32 [tilespmem:s14], [sflag:$0x3], $0x80, s7, s12, $0xb8;
	[tilespmem:$0x1D000] =	vst v63  }
0x52: {  	_ =	swait.ge [sflag:s10], $0x3E80  }
0x53: {  	[sflag:s10] =	ssyncset.done $0x0  }
0x54: {  	[sflag:s10] =	ssyncadd.s32 $0xFFFFC180  }
0x55: {  	_ =	swait.ge [sflag:s9], $0x3E80  }
0x56: {  	[sflag:s9] =	ssyncset.done $0x0  }
0x57: {  	s24 =	rddreg [dreg:$0xc];
	[sflag:s9] =	ssyncadd.s32 $0xFFFFC180  }
0x58: {  	[tilespmem:s14], [sflag:$0x2] =	stream.indirect.gather [hbm4b:s4+s12], $0x80, s24, s12, $0xb8;
	[tilespmem:$0x1D000] =	vst v63  }
0x59: {  	s7 =	rddreg [dreg:$0xd]  }
0x5a: {  	[spmem:s2] =	stream.indirect.scatter.add.f32 [tilespmem:s13], [sflag:$0x3], $0x80, s7, s12, $0xb8;
	[tilespmem:$0x1D000] =	vst v63  }
0x5b: {  	_ =	swait.ge [sflag:s10], $0x3E80  }
0x5c: {  	[sflag:s10] =	ssyncset.done $0x0  }
0x5d: {  	[sflag:s10] =	ssyncadd.s32 $0xFFFFC180  }
0x5e: {  	_ =	swait.ge [sflag:s15], $0x3E80  }
0x5f: {  	[sflag:s15] =	ssyncset.done $0x0  }
0x60: {  	s24 =	rddreg [dreg:$0xe];
	[sflag:s15] =	ssyncadd.s32 $0xFFFFC180  }
0x61: {  	[tilespmem:s13], [sflag:$0x1] =	stream.indirect.gather [hbm4b:s4+s12], $0x80, s24, s12, $0xb8;
	[tilespmem:$0x1D000] =	vst v63  }
0x62: {  	s7 =	rddreg [dreg:$0xf]  }
0x63: {  	[spmem:s2] =	stream.indirect.scatter.add.f32 [tilespmem:s14], [sflag:$0x3], $0x80, s7, s12, $0xb8;
	[tilespmem:$0x1D000] =	vst v63  }
0x64: {  	_ =	swait.ge [sflag:s10], $0x3E80  }
0x65: {  	[sflag:s10] =	ssyncset.done $0x0  }
0x66: {  	[sflag:s10] =	ssyncadd.s32 $0xFFFFC180  }
0x67: {  	_ =	swait.ge [sflag:s9], $0x3E80  }
0x68: {  	[sflag:s9] =	ssyncset.done $0x0  }
0x69: {  	s8 =	rddreg [dreg:$0x10];
	[sflag:s9] =	ssyncadd.s32 $0xFFFFC180  }
0x6a: {  	[tilespmem:s14], [sflag:$0x2] =	stream.indirect.gather [hbm4b:s4+s12], $0x80, s8, s12, $0xb8;
	[tilespmem:$0x1D000] =	vst v63  }
0x6b: {  	s24 =	rddreg [dreg:$0x11]  }
0x6c: {  	[spmem:s2] =	stream.indirect.scatter.add.f32 [tilespmem:s13], [sflag:$0x3], $0x80, s24, s12, $0xb8;
	[tilespmem:$0x1D000] =	vst v63  }
0x6d: {  	_ =	swait.ge [sflag:s10], $0x3E80  }
0x6e: {  	[sflag:s10] =	ssyncset.done $0x0  }
0x6f: {  	[sflag:s10] =	ssyncadd.s32 $0xFFFFC180  }
0x70: {  	_ =	swait.ge [sflag:s15], $0x3E80  }
0x71: {  	[sflag:s15] =	ssyncset.done $0x0  }
0x72: {  	[sflag:s15] =	ssyncadd.s32 $0xFFFFC180  }
0x73: {  	[tilespmem:s13], [sflag:$0x1] =	stream.indirect.gather [hbm4b:s4+s12], $0x80, s16, s12, $0xb8;
	[tilespmem:$0x1D000] =	vst v63  }
0x74: {  	_ = 	snop  }
0x75: {  	[spmem:s2] =	stream.indirect.scatter.add.f32 [tilespmem:s14], [sflag:$0x3], $0x80, s17, s12, $0xb8;
	[tilespmem:$0x1D000] =	vst v63  }
0x76: {  	_ =	swait.ge [sflag:s10], $0x3E80  }
0x77: {  	[sflag:s10] =	ssyncset.done $0x0  }
0x78: {  	[sflag:s10] =	ssyncadd.s32 $0xFFFFC180  }
0x79: {  	_ =	swait.ge [sflag:s9], $0x3E80  }
0x7a: {  	[sflag:s9] =	ssyncset.done $0x0  }
0x7b: {  	[sflag:s9] =	ssyncadd.s32 $0xFFFFC180  }
0x7c: {  	[tilespmem:s14], [sflag:$0x2] =	stream.indirect.gather [hbm4b:s4+s12], $0x80, s18, s12, $0xb8;
	[tilespmem:$0x1D000] =	vst v63  }
0x7d: {  	_ = 	snop  }
0x7e: {  	[spmem:s2] =	stream.indirect.scatter.add.f32 [tilespmem:s13], [sflag:$0x3], $0x80, s19, s12, $0xb8;
	[tilespmem:$0x1D000] =	vst v63  }
0x7f: {  	_ =	swait.ge [sflag:s10], $0x3E80  }
0x80: {  	[sflag:s10] =	ssyncset.done $0x0  }
0x81: {  	[sflag:s10] =	ssyncadd.s32 $0xFFFFC180  }
0x82: {  	_ =	swait.ge [sflag:s15], $0x3E80  }
0x83: {  	[sflag:s15] =	ssyncset.done $0x0  }
0x84: {  	[sflag:s15] =	ssyncadd.s32 $0xFFFFC180  }
0x85: {  	[tilespmem:s13], [sflag:$0x1] =	stream.indirect.gather [hbm4b:s4+s12], $0x80, s20, s12, $0xb8;
	[tilespmem:$0x1D000] =	vst v63  }
0x86: {  	_ = 	snop  }
0x87: {  	[spmem:s2] =	stream.indirect.scatter.add.f32 [tilespmem:s14], [sflag:$0x3], $0x80, s21, s12, $0xb8;
	[tilespmem:$0x1D000] =	vst v63  }
0x88: {  	_ =	swait.ge [sflag:s10], $0x3E80  }
0x89: {  	[sflag:s10] =	ssyncset.done $0x0  }
0x8a: {  	[sflag:s10] =	ssyncadd.s32 $0xFFFFC180  }
0x8b: {  	_ =	swait.ge [sflag:s9], $0x3E80  }
0x8c: {  	[sflag:s9] =	ssyncset.done $0x0  }
0x8d: {  	[sflag:s9] =	ssyncadd.s32 $0xFFFFC180  }
0x8e: {  	[tilespmem:s14], [sflag:$0x2] =	stream.indirect.gather [hbm4b:s4+s12], $0x80, s22, s12, $0xb8;
	[tilespmem:$0x1D000] =	vst v63  }
0x8f: {  	_ = 	snop  }
0x90: {  	[spmem:s2] =	stream.indirect.scatter.add.f32 [tilespmem:s13], [sflag:$0x3], $0x80, s23, s12, $0xb8;
	[tilespmem:$0x1D000] =	vst v63  }
0x91: {  	_ =	swait.ge [sflag:s10], $0x3E80  }
0x92: {  	[sflag:s10] =	ssyncset.done $0x0  }
0x93: {  	[sflag:s10] =	ssyncadd.s32 $0xFFFFC180  }
0x94: {  	_ =	swait.ge [sflag:s15], $0x3E80  }
0x95: {  	[sflag:s15] =	ssyncset.done $0x0  }
0x96: {  	[sflag:s15] =	ssyncadd.s32 $0xFFFFC180  }
0x97: {  	[tilespmem:s13], [sflag:$0x1] =	stream.indirect.gather [hbm4b:s4+s12], $0x80, s25, s12, $0xb8;
	[tilespmem:$0x1D000] =	vst v63  }
0x98: {  	_ = 	snop  }
0x99: {  	[spmem:s2] =	stream.indirect.scatter.add.f32 [tilespmem:s14], [sflag:$0x3], $0x80, s26, s12, $0xb8;
	[tilespmem:$0x1D000] =	vst v63  }
0x9a: {  	_ =	swait.ge [sflag:s10], $0x3E80  }
0x9b: {  	[sflag:s10] =	ssyncset.done $0x0  }
0x9c: {  	[sflag:s10] =	ssyncadd.s32 $0xFFFFC180  }
0x9d: {  	_ =	swait.ge [sflag:s9], $0x3E80  }
0x9e: {  	[sflag:s9] =	ssyncset.done $0x0  }
0x9f: {  	[sflag:s9] =	ssyncadd.s32 $0xFFFFC180  }
0xa0: {  	[tilespmem:s14], [sflag:$0x2] =	stream.indirect.gather [hbm4b:s4+s12], $0x80, s28, s12, $0xb8;
	[tilespmem:$0x1D000] =	vst v63  }
0xa1: {  	_ = 	snop  }
0xa2: {  	[spmem:s2] =	stream.indirect.scatter.add.f32 [tilespmem:s13], [sflag:$0x3], $0x80, s29, s12, $0xb8;
	[tilespmem:$0x1D000] =	vst v63  }
0xa3: {  	_ =	swait.ge [sflag:s10], $0x3E80  }
0xa4: {  	[sflag:s10] =	ssyncset.done $0x0  }
0xa5: {  	[sflag:s10] =	ssyncadd.s32 $0xFFFFC180  }
0xa6: {  	_ =	swait.ge [sflag:s15], $0x3E80  }
0xa7: {  	[sflag:s15] =	ssyncset.done $0x0  }
0xa8: {  	[sflag:s15] =	ssyncadd.s32 $0xFFFFC180  }
0xa9: {  	[tilespmem:s13], [sflag:$0x1] =	stream.indirect.gather [hbm4b:s4+s12], $0x80, s30, s12, $0xb8;
	[tilespmem:$0x1D000] =	vst v63  }
0xaa: {  	_ = 	snop  }
0xab: {  	[spmem:s2] =	stream.indirect.scatter.add.f32 [tilespmem:s14], [sflag:$0x3], $0x80, s31, s12, $0xb8;
	[tilespmem:$0x1D000] =	vst v63  }
0xac: {  	_ =	swait.ge [sflag:s10], $0x3E80  }
0xad: {  	[sflag:s10] =	ssyncset.done $0x0  }
0xae: {  	[sflag:s10] =	ssyncadd.s32 $0xFFFFC180  }
0xaf: {  	_ =	swait.ge [sflag:s9], $0x3E80  }
0xb0: {  	[sflag:s9] =	ssyncset.done $0x0  }
0xb1: {  	[sflag:s9] =	ssyncadd.s32 $0xFFFFC180  }
0xb2: {  	[tilespmem:s14], [sflag:$0x2] =	stream.indirect.gather [hbm4b:s4+s12], $0x80, s0, s12, $0xb8;
	[tilespmem:$0x1D000] =	vst v63  }
0xb3: {  	_ = 	snop  }
0xb4: {  	[spmem:s2] =	stream.indirect.scatter.add.f32 [tilespmem:s13], [sflag:$0x3], $0x80, s1, s12, $0xb8;
	[tilespmem:$0x1D000] =	vst v63  }
0xb5: {  	_ =	swait.ge [sflag:s10], $0x3E80  }
0xb6: {  	[sflag:s10] =	ssyncset.done $0x0  }
0xb7: {  	[sflag:s10] =	ssyncadd.s32 $0xFFFFC180  }
0xb8: {  	_ =	swait.ge [sflag:s15], $0x3E80  }
0xb9: {  	[sflag:s15] =	ssyncset.done $0x0  }
0xba: {  	[sflag:s15] =	ssyncadd.s32 $0xFFFFC180  }
0xbb: {  	[spmem:s2] =	stream.indirect.scatter.add.f32 [tilespmem:s14], [sflag:$0x3], $0x80, s5, s12, $0xb8;
	[tilespmem:$0x1D000] =	vst v63  }
0xbc: {  	s6 =	simm.s32 $0x200;
	_ =	swait.ge [sflag:s10], $0x3E80  }
0xbd: {  	s24 =	simm.s32 $0x100;
	s8 =	rddreg [dreg:$0x3];
	[sflag:s10] =	ssyncset.done $0x0  }
.LBB2_2:
0xbe: {  	[sflag:s10] =	ssyncadd.s32 $0xFFFFC180;
	s8 =	sadd.s32 s24, s8  }
0xbf: {  	[tilespmem:s3], [sflag:$0x3] =	stream.linear.gather [hbm4b:s8+s3], $0x800, $0x38;
	[tilespmem:$0x1D000] =	vst v63  }
0xc0: {  	_ =	swait.ge [sflag:s10], $0x800  }
0xc1: {  	s8 =	rddreg [dreg:$0x4];
	[sflag:s10] =	ssyncset.done $0x0  }
0xc2: {  	[sflag:s10] =	ssyncadd.s32 $0xFFFFF800;
	s8 =	sadd.s32 s24, s8  }
0xc3: {  	[tilespmem:s11], [sflag:$0x3] =	stream.linear.gather [hbm4b:s8+s3], $0x800, $0x38;
	[tilespmem:$0x1D000] =	vst v63  }
0xc4: {  	_ =	swait.ge [sflag:s10], $0x800  }
0xc5: {  	[sflag:s10] =	ssyncset.done $0x0  }
0xc6: {  	[sflag:s10] =	ssyncadd.s32 $0xFFFFF800  }
0xc7: {  	[tilespmem:s13], [sflag:$0x3] =	stream.indirect.gather [hbm4b:s4+s12], $0x80, s3, s12, $0xb8;
	[tilespmem:$0x1D000] =	vst v63  }
0xc8: {  	_ =	swait.ge [sflag:s10], $0x3E80  }
0xc9: {  	[sflag:s10] =	ssyncset.done $0x0  }
0xca: {  	s8 =	rddreg [dreg:$0x5];
	[sflag:s10] =	ssyncadd.s32 $0xFFFFC180  }
0xcb: {  	[tilespmem:s14], [sflag:$0x2] =	stream.indirect.gather [hbm4b:s4+s12], $0x80, s8, s12, $0xb8;
	[tilespmem:$0x1D000] =	vst v63  }
0xcc: {  	_ = 	snop  }
0xcd: {  	[spmem:s2] =	stream.indirect.scatter.add.f32 [tilespmem:s13], [sflag:$0x3], $0x80, s11, s12, $0xb8;
	[tilespmem:$0x1D000] =	vst v63  }
0xce: {  	_ =	swait.ge [sflag:s10], $0x3E80  }
0xcf: {  	[sflag:s10] =	ssyncset.done $0x0  }
0xd0: {  	[sflag:s10] =	ssyncadd.s32 $0xFFFFC180  }
0xd1: {  	_ =	swait.ge [sflag:s15], $0x3E80  }
0xd2: {  	s7 =	smov.u32 s6;
	[sflag:s15] =	ssyncset.done $0x0  }
0xd3: {  	s24 =	smov.u32 s7;
	s7 =	rddreg [dreg:$0x6];
	[sflag:s15] =	ssyncadd.s32 $0xFFFFC180  }
0xd4: {  	[tilespmem:s13], [sflag:$0x1] =	stream.indirect.gather [hbm4b:s4+s12], $0x80, s7, s12, $0xb8;
	[tilespmem:$0x1D000] =	vst v63  }
0xd5: {  	s8 =	rddreg [dreg:$0x7]  }
0xd6: {  	[spmem:s2] =	stream.indirect.scatter.add.f32 [tilespmem:s14], [sflag:$0x3], $0x80, s8, s12, $0xb8;
	[tilespmem:$0x1D000] =	vst v63  }
0xd7: {  	_ =	swait.ge [sflag:s10], $0x3E80  }
0xd8: {  	[sflag:s10] =	ssyncset.done $0x0  }
0xd9: {  	[sflag:s10] =	ssyncadd.s32 $0xFFFFC180  }
0xda: {  	_ =	swait.ge [sflag:s9], $0x3E80  }
0xdb: {  	[sflag:s9] =	ssyncset.done $0x0  }
0xdc: {  	s7 =	rddreg [dreg:$0x8];
	[sflag:s9] =	ssyncadd.s32 $0xFFFFC180  }
0xdd: {  	[tilespmem:s14], [sflag:$0x2] =	stream.indirect.gather [hbm4b:s4+s12], $0x80, s7, s12, $0xb8;
	[tilespmem:$0x1D000] =	vst v63  }
0xde: {  	s8 =	rddreg [dreg:$0x9]  }
0xdf: {  	[spmem:s2] =	stream.indirect.scatter.add.f32 [tilespmem:s13], [sflag:$0x3], $0x80, s8, s12, $0xb8;
	[tilespmem:$0x1D000] =	vst v63  }
0xe0: {  	_ =	swait.ge [sflag:s10], $0x3E80  }
0xe1: {  	[sflag:s10] =	ssyncset.done $0x0  }
0xe2: {  	[sflag:s10] =	ssyncadd.s32 $0xFFFFC180  }
0xe3: {  	_ =	swait.ge [sflag:s15], $0x3E80  }
0xe4: {  	[sflag:s15] =	ssyncset.done $0x0  }
0xe5: {  	s7 =	rddreg [dreg:$0xa];
	[sflag:s15] =	ssyncadd.s32 $0xFFFFC180  }
0xe6: {  	[tilespmem:s13], [sflag:$0x1] =	stream.indirect.gather [hbm4b:s4+s12], $0x80, s7, s12, $0xb8;
	[tilespmem:$0x1D000] =	vst v63  }
0xe7: {  	s8 =	rddreg [dreg:$0xb]  }
0xe8: {  	[spmem:s2] =	stream.indirect.scatter.add.f32 [tilespmem:s14], [sflag:$0x3], $0x80, s8, s12, $0xb8;
	[tilespmem:$0x1D000] =	vst v63  }
0xe9: {  	_ =	swait.ge [sflag:s10], $0x3E80  }
0xea: {  	[sflag:s10] =	ssyncset.done $0x0  }
0xeb: {  	[sflag:s10] =	ssyncadd.s32 $0xFFFFC180  }
0xec: {  	_ =	swait.ge [sflag:s9], $0x3E80  }
0xed: {  	[sflag:s9] =	ssyncset.done $0x0  }
0xee: {  	s7 =	rddreg [dreg:$0xc];
	[sflag:s9] =	ssyncadd.s32 $0xFFFFC180  }
0xef: {  	[tilespmem:s14], [sflag:$0x2] =	stream.indirect.gather [hbm4b:s4+s12], $0x80, s7, s12, $0xb8;
	[tilespmem:$0x1D000] =	vst v63  }
0xf0: {  	s8 =	rddreg [dreg:$0xd]  }
0xf1: {  	[spmem:s2] =	stream.indirect.scatter.add.f32 [tilespmem:s13], [sflag:$0x3], $0x80, s8, s12, $0xb8;
	[tilespmem:$0x1D000] =	vst v63  }
0xf2: {  	_ =	swait.ge [sflag:s10], $0x3E80  }
0xf3: {  	[sflag:s10] =	ssyncset.done $0x0  }
0xf4: {  	[sflag:s10] =	ssyncadd.s32 $0xFFFFC180  }
0xf5: {  	_ =	swait.ge [sflag:s15], $0x3E80  }
0xf6: {  	[sflag:s15] =	ssyncset.done $0x0  }
0xf7: {  	s7 =	rddreg [dreg:$0xe];
	[sflag:s15] =	ssyncadd.s32 $0xFFFFC180  }
0xf8: {  	[tilespmem:s13], [sflag:$0x1] =	stream.indirect.gather [hbm4b:s4+s12], $0x80, s7, s12, $0xb8;
	[tilespmem:$0x1D000] =	vst v63  }
0xf9: {  	s8 =	rddreg [dreg:$0xf]  }
0xfa: {  	[spmem:s2] =	stream.indirect.scatter.add.f32 [tilespmem:s14], [sflag:$0x3], $0x80, s8, s12, $0xb8;
	[tilespmem:$0x1D000] =	vst v63  }
0xfb: {  	_ =	swait.ge [sflag:s10], $0x3E80  }
0xfc: {  	[sflag:s10] =	ssyncset.done $0x0  }
0xfd: {  	[sflag:s10] =	ssyncadd.s32 $0xFFFFC180  }
0xfe: {  	_ =	swait.ge [sflag:s9], $0x3E80  }
0xff: {  	[sflag:s9] =	ssyncset.done $0x0  }
0x100: {  	s7 =	rddreg [dreg:$0x10];
	[sflag:s9] =	ssyncadd.s32 $0xFFFFC180  }
0x101: {  	[tilespmem:s14], [sflag:$0x2] =	stream.indirect.gather [hbm4b:s4+s12], $0x80, s7, s12, $0xb8;
	[tilespmem:$0x1D000] =	vst v63  }
0x102: {  	s8 =	rddreg [dreg:$0x11]  }
0x103: {  	[spmem:s2] =	stream.indirect.scatter.add.f32 [tilespmem:s13], [sflag:$0x3], $0x80, s8, s12, $0xb8;
	[tilespmem:$0x1D000] =	vst v63  }
0x104: {  	_ =	swait.ge [sflag:s10], $0x3E80  }
0x105: {  	[sflag:s10] =	ssyncset.done $0x0  }
0x106: {  	[sflag:s10] =	ssyncadd.s32 $0xFFFFC180  }
0x107: {  	_ =	swait.ge [sflag:s15], $0x3E80  }
0x108: {  	[sflag:s15] =	ssyncset.done $0x0  }
0x109: {  	[sflag:s15] =	ssyncadd.s32 $0xFFFFC180  }
0x10a: {  	[tilespmem:s13], [sflag:$0x1] =	stream.indirect.gather [hbm4b:s4+s12], $0x80, s16, s12, $0xb8;
	[tilespmem:$0x1D000] =	vst v63  }
0x10b: {  	_ = 	snop  }
0x10c: {  	[spmem:s2] =	stream.indirect.scatter.add.f32 [tilespmem:s14], [sflag:$0x3], $0x80, s17, s12, $0xb8;
	[tilespmem:$0x1D000] =	vst v63  }
0x10d: {  	_ =	swait.ge [sflag:s10], $0x3E80  }
0x10e: {  	[sflag:s10] =	ssyncset.done $0x0  }
0x10f: {  	[sflag:s10] =	ssyncadd.s32 $0xFFFFC180  }
0x110: {  	_ =	swait.ge [sflag:s9], $0x3E80  }
0x111: {  	[sflag:s9] =	ssyncset.done $0x0  }
0x112: {  	[sflag:s9] =	ssyncadd.s32 $0xFFFFC180  }
0x113: {  	[tilespmem:s14], [sflag:$0x2] =	stream.indirect.gather [hbm4b:s4+s12], $0x80, s18, s12, $0xb8;
	[tilespmem:$0x1D000] =	vst v63  }
0x114: {  	_ = 	snop  }
0x115: {  	[spmem:s2] =	stream.indirect.scatter.add.f32 [tilespmem:s13], [sflag:$0x3], $0x80, s19, s12, $0xb8;
	[tilespmem:$0x1D000] =	vst v63  }
0x116: {  	_ =	swait.ge [sflag:s10], $0x3E80  }
0x117: {  	[sflag:s10] =	ssyncset.done $0x0  }
0x118: {  	[sflag:s10] =	ssyncadd.s32 $0xFFFFC180  }
0x119: {  	_ =	swait.ge [sflag:s15], $0x3E80  }
0x11a: {  	[sflag:s15] =	ssyncset.done $0x0  }
0x11b: {  	[sflag:s15] =	ssyncadd.s32 $0xFFFFC180  }
0x11c: {  	[tilespmem:s13], [sflag:$0x1] =	stream.indirect.gather [hbm4b:s4+s12], $0x80, s20, s12, $0xb8;
	[tilespmem:$0x1D000] =	vst v63  }
0x11d: {  	_ = 	snop  }
0x11e: {  	[spmem:s2] =	stream.indirect.scatter.add.f32 [tilespmem:s14], [sflag:$0x3], $0x80, s21, s12, $0xb8;
	[tilespmem:$0x1D000] =	vst v63  }
0x11f: {  	_ =	swait.ge [sflag:s10], $0x3E80  }
0x120: {  	[sflag:s10] =	ssyncset.done $0x0  }
0x121: {  	[sflag:s10] =	ssyncadd.s32 $0xFFFFC180  }
0x122: {  	_ =	swait.ge [sflag:s9], $0x3E80  }
0x123: {  	[sflag:s9] =	ssyncset.done $0x0  }
0x124: {  	[sflag:s9] =	ssyncadd.s32 $0xFFFFC180  }
0x125: {  	[tilespmem:s14], [sflag:$0x2] =	stream.indirect.gather [hbm4b:s4+s12], $0x80, s22, s12, $0xb8;
	[tilespmem:$0x1D000] =	vst v63  }
0x126: {  	_ = 	snop  }
0x127: {  	[spmem:s2] =	stream.indirect.scatter.add.f32 [tilespmem:s13], [sflag:$0x3], $0x80, s23, s12, $0xb8;
	[tilespmem:$0x1D000] =	vst v63  }
0x128: {  	_ =	swait.ge [sflag:s10], $0x3E80  }
0x129: {  	[sflag:s10] =	ssyncset.done $0x0  }
0x12a: {  	[sflag:s10] =	ssyncadd.s32 $0xFFFFC180  }
0x12b: {  	_ =	swait.ge [sflag:s15], $0x3E80  }
0x12c: {  	[sflag:s15] =	ssyncset.done $0x0  }
0x12d: {  	[sflag:s15] =	ssyncadd.s32 $0xFFFFC180  }
0x12e: {  	[tilespmem:s13], [sflag:$0x1] =	stream.indirect.gather [hbm4b:s4+s12], $0x80, s25, s12, $0xb8;
	[tilespmem:$0x1D000] =	vst v63  }
0x12f: {  	_ = 	snop  }
0x130: {  	[spmem:s2] =	stream.indirect.scatter.add.f32 [tilespmem:s14], [sflag:$0x3], $0x80, s26, s12, $0xb8;
	[tilespmem:$0x1D000] =	vst v63  }
0x131: {  	_ =	swait.ge [sflag:s10], $0x3E80  }
0x132: {  	[sflag:s10] =	ssyncset.done $0x0  }
0x133: {  	[sflag:s10] =	ssyncadd.s32 $0xFFFFC180  }
0x134: {  	_ =	swait.ge [sflag:s9], $0x3E80  }
0x135: {  	[sflag:s9] =	ssyncset.done $0x0  }
0x136: {  	[sflag:s9] =	ssyncadd.s32 $0xFFFFC180  }
0x137: {  	[tilespmem:s14], [sflag:$0x2] =	stream.indirect.gather [hbm4b:s4+s12], $0x80, s28, s12, $0xb8;
	[tilespmem:$0x1D000] =	vst v63  }
0x138: {  	_ = 	snop  }
0x139: {  	[spmem:s2] =	stream.indirect.scatter.add.f32 [tilespmem:s13], [sflag:$0x3], $0x80, s29, s12, $0xb8;
	[tilespmem:$0x1D000] =	vst v63  }
0x13a: {  	_ =	swait.ge [sflag:s10], $0x3E80  }
0x13b: {  	[sflag:s10] =	ssyncset.done $0x0  }
0x13c: {  	[sflag:s10] =	ssyncadd.s32 $0xFFFFC180  }
0x13d: {  	_ =	swait.ge [sflag:s15], $0x3E80  }
0x13e: {  	[sflag:s15] =	ssyncset.done $0x0  }
0x13f: {  	[sflag:s15] =	ssyncadd.s32 $0xFFFFC180  }
0x140: {  	[tilespmem:s13], [sflag:$0x1] =	stream.indirect.gather [hbm4b:s4+s12], $0x80, s30, s12, $0xb8;
	[tilespmem:$0x1D000] =	vst v63  }
0x141: {  	_ = 	snop  }
0x142: {  	[spmem:s2] =	stream.indirect.scatter.add.f32 [tilespmem:s14], [sflag:$0x3], $0x80, s31, s12, $0xb8;
	[tilespmem:$0x1D000] =	vst v63  }
0x143: {  	_ =	swait.ge [sflag:s10], $0x3E80  }
0x144: {  	[sflag:s10] =	ssyncset.done $0x0  }
0x145: {  	[sflag:s10] =	ssyncadd.s32 $0xFFFFC180  }
0x146: {  	_ =	swait.ge [sflag:s9], $0x3E80  }
0x147: {  	[sflag:s9] =	ssyncset.done $0x0  }
0x148: {  	[sflag:s9] =	ssyncadd.s32 $0xFFFFC180  }
0x149: {  	[tilespmem:s14], [sflag:$0x2] =	stream.indirect.gather [hbm4b:s4+s12], $0x80, s0, s12, $0xb8;
	[tilespmem:$0x1D000] =	vst v63  }
0x14a: {  	_ = 	snop  }
0x14b: {  	[spmem:s2] =	stream.indirect.scatter.add.f32 [tilespmem:s13], [sflag:$0x3], $0x80, s1, s12, $0xb8;
	[tilespmem:$0x1D000] =	vst v63  }
0x14c: {  	_ =	swait.ge [sflag:s10], $0x3E80  }
0x14d: {  	[sflag:s10] =	ssyncset.done $0x0  }
0x14e: {  	[sflag:s10] =	ssyncadd.s32 $0xFFFFC180  }
0x14f: {  	p0 =	sne.s32 s6, $0x400;
	_ =	swait.ge [sflag:s15], $0x3E80  }
.Ltmp0:
0x150: {  	[sflag:s15] =	ssyncset.done $0x0;
	(pc) =	sbr.rel @p0 .LBB2_2-.Ltmp0, $4  }
0x151: {  	[sflag:s15] =	ssyncadd.s32 $0xFFFFC180  }
0x152: {  	[spmem:s2] =	stream.indirect.scatter.add.f32 [tilespmem:s14], [sflag:$0x3], $0x80, s5, s12, $0xb8;
	[tilespmem:$0x1D000] =	vst v63  }
0x153: {  	_ =	swait.ge [sflag:s10], $0x3E80  }
0x154: {  	s6 =	sadd.s32 $0x100, s6;
	s8 =	rddreg [dreg:$0x3];
	[sflag:s10] =	ssyncset.done $0x0  }
0x155: {  	[sflag:s10] =	ssyncadd.s32 $0xFFFFC180;
	s6 =	sadd.s32 s24, s8  }
0x156: {  	[tilespmem:s3], [sflag:$0x3] =	stream.linear.gather [hbm4b:s6+s3], $0x800, $0x38;
	[tilespmem:$0x1D000] =	vst v63  }
0x157: {  	_ =	swait.ge [sflag:s10], $0x800  }
0x158: {  	s7 =	rddreg [dreg:$0x4];
	[sflag:s10] =	ssyncset.done $0x0  }
0x159: {  	[sflag:s10] =	ssyncadd.s32 $0xFFFFF800;
	s6 =	sadd.s32 s24, s7  }
0x15a: {  	[tilespmem:s11], [sflag:$0x3] =	stream.linear.gather [hbm4b:s6+s3], $0x800, $0x38;
	[tilespmem:$0x1D000] =	vst v63  }
0x15b: {  	_ =	swait.ge [sflag:s10], $0x800  }
0x15c: {  	[sflag:s10] =	ssyncset.done $0x0  }
0x15d: {  	[sflag:s10] =	ssyncadd.s32 $0xFFFFF800  }
0x15e: {  	[tilespmem:s13], [sflag:$0x3] =	stream.indirect.gather [hbm4b:s4+s12], $0x80, s3, s12, $0xb8;
	[tilespmem:$0x1D000] =	vst v63  }
0x15f: {  	_ =	swait.ge [sflag:s10], $0x3E80  }
0x160: {  	[sflag:s10] =	ssyncset.done $0x0  }
0x161: {  	s8 =	rddreg [dreg:$0x5];
	[sflag:s10] =	ssyncadd.s32 $0xFFFFC180  }
0x162: {  	[tilespmem:s14], [sflag:$0x2] =	stream.indirect.gather [hbm4b:s4+s12], $0x80, s8, s12, $0xb8;
	[tilespmem:$0x1D000] =	vst v63  }
0x163: {  	_ = 	snop  }
0x164: {  	[spmem:s2] =	stream.indirect.scatter.add.f32 [tilespmem:s13], [sflag:$0x3], $0x80, s11, s12, $0xb8;
	[tilespmem:$0x1D000] =	vst v63  }
0x165: {  	_ =	swait.ge [sflag:s10], $0x3E80  }
0x166: {  	[sflag:s10] =	ssyncset.done $0x0  }
0x167: {  	[sflag:s10] =	ssyncadd.s32 $0xFFFFC180  }
0x168: {  	_ =	swait.ge [sflag:s15], $0x3E80  }
0x169: {  	[sflag:s15] =	ssyncset.done $0x0  }
0x16a: {  	s24 =	rddreg [dreg:$0x6];
	[sflag:s15] =	ssyncadd.s32 $0xFFFFC180  }
0x16b: {  	[tilespmem:s13], [sflag:$0x1] =	stream.indirect.gather [hbm4b:s4+s12], $0x80, s24, s12, $0xb8;
	[tilespmem:$0x1D000] =	vst v63  }
0x16c: {  	s7 =	rddreg [dreg:$0x7]  }
0x16d: {  	[spmem:s2] =	stream.indirect.scatter.add.f32 [tilespmem:s14], [sflag:$0x3], $0x80, s7, s12, $0xb8;
	[tilespmem:$0x1D000] =	vst v63  }
0x16e: {  	_ =	swait.ge [sflag:s10], $0x3E80  }
0x16f: {  	[sflag:s10] =	ssyncset.done $0x0  }
0x170: {  	[sflag:s10] =	ssyncadd.s32 $0xFFFFC180  }
0x171: {  	_ =	swait.ge [sflag:s9], $0x3E80  }
0x172: {  	[sflag:s9] =	ssyncset.done $0x0  }
0x173: {  	s8 =	rddreg [dreg:$0x8];
	[sflag:s9] =	ssyncadd.s32 $0xFFFFC180  }
0x174: {  	[tilespmem:s14], [sflag:$0x2] =	stream.indirect.gather [hbm4b:s4+s12], $0x80, s8, s12, $0xb8;
	[tilespmem:$0x1D000] =	vst v63  }
0x175: {  	s24 =	rddreg [dreg:$0x9]  }
0x176: {  	[spmem:s2] =	stream.indirect.scatter.add.f32 [tilespmem:s13], [sflag:$0x3], $0x80, s24, s12, $0xb8;
	[tilespmem:$0x1D000] =	vst v63  }
0x177: {  	_ =	swait.ge [sflag:s10], $0x3E80  }
0x178: {  	[sflag:s10] =	ssyncset.done $0x0  }
0x179: {  	[sflag:s10] =	ssyncadd.s32 $0xFFFFC180  }
0x17a: {  	_ =	swait.ge [sflag:s15], $0x3E80  }
0x17b: {  	[sflag:s15] =	ssyncset.done $0x0  }
0x17c: {  	s8 =	rddreg [dreg:$0xa];
	[sflag:s15] =	ssyncadd.s32 $0xFFFFC180  }
0x17d: {  	[tilespmem:s13], [sflag:$0x1] =	stream.indirect.gather [hbm4b:s4+s12], $0x80, s8, s12, $0xb8;
	[tilespmem:$0x1D000] =	vst v63  }
0x17e: {  	s24 =	rddreg [dreg:$0xb]  }
0x17f: {  	[spmem:s2] =	stream.indirect.scatter.add.f32 [tilespmem:s14], [sflag:$0x3], $0x80, s24, s12, $0xb8;
	[tilespmem:$0x1D000] =	vst v63  }
0x180: {  	_ =	swait.ge [sflag:s10], $0x3E80  }
0x181: {  	[sflag:s10] =	ssyncset.done $0x0  }
0x182: {  	[sflag:s10] =	ssyncadd.s32 $0xFFFFC180  }
0x183: {  	_ =	swait.ge [sflag:s9], $0x3E80  }
0x184: {  	[sflag:s9] =	ssyncset.done $0x0  }
0x185: {  	s8 =	rddreg [dreg:$0xc];
	[sflag:s9] =	ssyncadd.s32 $0xFFFFC180  }
0x186: {  	[tilespmem:s14], [sflag:$0x2] =	stream.indirect.gather [hbm4b:s4+s12], $0x80, s8, s12, $0xb8;
	[tilespmem:$0x1D000] =	vst v63  }
0x187: {  	s24 =	rddreg [dreg:$0xd]  }
0x188: {  	[spmem:s2] =	stream.indirect.scatter.add.f32 [tilespmem:s13], [sflag:$0x3], $0x80, s24, s12, $0xb8;
	[tilespmem:$0x1D000] =	vst v63  }
0x189: {  	_ =	swait.ge [sflag:s10], $0x3E80  }
0x18a: {  	[sflag:s10] =	ssyncset.done $0x0  }
0x18b: {  	[sflag:s10] =	ssyncadd.s32 $0xFFFFC180  }
0x18c: {  	_ =	swait.ge [sflag:s15], $0x3E80  }
0x18d: {  	[sflag:s15] =	ssyncset.done $0x0  }
0x18e: {  	s8 =	rddreg [dreg:$0xe];
	[sflag:s15] =	ssyncadd.s32 $0xFFFFC180  }
0x18f: {  	[tilespmem:s13], [sflag:$0x1] =	stream.indirect.gather [hbm4b:s4+s12], $0x80, s8, s12, $0xb8;
	[tilespmem:$0x1D000] =	vst v63  }
0x190: {  	s24 =	rddreg [dreg:$0xf]  }
0x191: {  	[spmem:s2] =	stream.indirect.scatter.add.f32 [tilespmem:s14], [sflag:$0x3], $0x80, s24, s12, $0xb8;
	[tilespmem:$0x1D000] =	vst v63  }
0x192: {  	_ =	swait.ge [sflag:s10], $0x3E80  }
0x193: {  	[sflag:s10] =	ssyncset.done $0x0  }
0x194: {  	[sflag:s10] =	ssyncadd.s32 $0xFFFFC180  }
0x195: {  	_ =	swait.ge [sflag:s9], $0x3E80  }
0x196: {  	[sflag:s9] =	ssyncset.done $0x0  }
0x197: {  	s8 =	rddreg [dreg:$0x10];
	[sflag:s9] =	ssyncadd.s32 $0xFFFFC180  }
0x198: {  	[tilespmem:s14], [sflag:$0x2] =	stream.indirect.gather [hbm4b:s4+s12], $0x80, s8, s12, $0xb8;
	[tilespmem:$0x1D000] =	vst v63  }
0x199: {  	s24 =	rddreg [dreg:$0x11]  }
0x19a: {  	[spmem:s2] =	stream.indirect.scatter.add.f32 [tilespmem:s13], [sflag:$0x3], $0x80, s24, s12, $0xb8;
	[tilespmem:$0x1D000] =	vst v63  }
0x19b: {  	_ =	swait.ge [sflag:s10], $0x3E80  }
0x19c: {  	[sflag:s10] =	ssyncset.done $0x0  }
0x19d: {  	[sflag:s10] =	ssyncadd.s32 $0xFFFFC180  }
0x19e: {  	_ =	swait.ge [sflag:s15], $0x3E80  }
0x19f: {  	[sflag:s15] =	ssyncset.done $0x0  }
0x1a0: {  	[sflag:s15] =	ssyncadd.s32 $0xFFFFC180  }
0x1a1: {  	[tilespmem:s13], [sflag:$0x1] =	stream.indirect.gather [hbm4b:s4+s12], $0x80, s16, s12, $0xb8;
	[tilespmem:$0x1D000] =	vst v63  }
0x1a2: {  	_ = 	snop  }
0x1a3: {  	[spmem:s2] =	stream.indirect.scatter.add.f32 [tilespmem:s14], [sflag:$0x3], $0x80, s17, s12, $0xb8;
	[tilespmem:$0x1D000] =	vst v63  }
0x1a4: {  	_ =	swait.ge [sflag:s10], $0x3E80  }
0x1a5: {  	[sflag:s10] =	ssyncset.done $0x0  }
0x1a6: {  	[sflag:s10] =	ssyncadd.s32 $0xFFFFC180  }
0x1a7: {  	_ =	swait.ge [sflag:s9], $0x3E80  }
0x1a8: {  	[sflag:s9] =	ssyncset.done $0x0  }
0x1a9: {  	[sflag:s9] =	ssyncadd.s32 $0xFFFFC180  }
0x1aa: {  	[tilespmem:s14], [sflag:$0x2] =	stream.indirect.gather [hbm4b:s4+s12], $0x80, s18, s12, $0xb8;
	[tilespmem:$0x1D000] =	vst v63  }
0x1ab: {  	_ = 	snop  }
0x1ac: {  	[spmem:s2] =	stream.indirect.scatter.add.f32 [tilespmem:s13], [sflag:$0x3], $0x80, s19, s12, $0xb8;
	[tilespmem:$0x1D000] =	vst v63  }
0x1ad: {  	_ =	swait.ge [sflag:s10], $0x3E80  }
0x1ae: {  	[sflag:s10] =	ssyncset.done $0x0  }
0x1af: {  	[sflag:s10] =	ssyncadd.s32 $0xFFFFC180  }
0x1b0: {  	_ =	swait.ge [sflag:s15], $0x3E80  }
0x1b1: {  	[sflag:s15] =	ssyncset.done $0x0  }
0x1b2: {  	[sflag:s15] =	ssyncadd.s32 $0xFFFFC180  }
0x1b3: {  	[tilespmem:s13], [sflag:$0x1] =	stream.indirect.gather [hbm4b:s4+s12], $0x80, s20, s12, $0xb8;
	[tilespmem:$0x1D000] =	vst v63  }
0x1b4: {  	_ = 	snop  }
0x1b5: {  	[spmem:s2] =	stream.indirect.scatter.add.f32 [tilespmem:s14], [sflag:$0x3], $0x80, s21, s12, $0xb8;
	[tilespmem:$0x1D000] =	vst v63  }
0x1b6: {  	_ =	swait.ge [sflag:s10], $0x3E80  }
0x1b7: {  	[sflag:s10] =	ssyncset.done $0x0  }
0x1b8: {  	[sflag:s10] =	ssyncadd.s32 $0xFFFFC180  }
0x1b9: {  	_ =	swait.ge [sflag:s9], $0x3E80  }
0x1ba: {  	[sflag:s9] =	ssyncset.done $0x0  }
0x1bb: {  	[sflag:s9] =	ssyncadd.s32 $0xFFFFC180  }
0x1bc: {  	[tilespmem:s14], [sflag:$0x2] =	stream.indirect.gather [hbm4b:s4+s12], $0x80, s22, s12, $0xb8;
	[tilespmem:$0x1D000] =	vst v63  }
0x1bd: {  	_ = 	snop  }
0x1be: {  	[spmem:s2] =	stream.indirect.scatter.add.f32 [tilespmem:s13], [sflag:$0x3], $0x80, s23, s12, $0xb8;
	[tilespmem:$0x1D000] =	vst v63  }
0x1bf: {  	_ =	swait.ge [sflag:s10], $0x3E80  }
0x1c0: {  	[sflag:s10] =	ssyncset.done $0x0  }
0x1c1: {  	[sflag:s10] =	ssyncadd.s32 $0xFFFFC180  }
0x1c2: {  	_ =	swait.ge [sflag:s15], $0x3E80  }
0x1c3: {  	[sflag:s15] =	ssyncset.done $0x0  }
0x1c4: {  	[sflag:s15] =	ssyncadd.s32 $0xFFFFC180  }
0x1c5: {  	[tilespmem:s13], [sflag:$0x1] =	stream.indirect.gather [hbm4b:s4+s12], $0x80, s25, s12, $0xb8;
	[tilespmem:$0x1D000] =	vst v63  }
0x1c6: {  	_ = 	snop  }
0x1c7: {  	[spmem:s2] =	stream.indirect.scatter.add.f32 [tilespmem:s14], [sflag:$0x3], $0x80, s26, s12, $0xb8;
	[tilespmem:$0x1D000] =	vst v63  }
0x1c8: {  	_ =	swait.ge [sflag:s10], $0x3E80  }
0x1c9: {  	[sflag:s10] =	ssyncset.done $0x0  }
0x1ca: {  	[sflag:s10] =	ssyncadd.s32 $0xFFFFC180  }
0x1cb: {  	_ =	swait.ge [sflag:s9], $0x3E80  }
0x1cc: {  	[sflag:s9] =	ssyncset.done $0x0  }
0x1cd: {  	[sflag:s9] =	ssyncadd.s32 $0xFFFFC180  }
0x1ce: {  	[tilespmem:s14], [sflag:$0x2] =	stream.indirect.gather [hbm4b:s4+s12], $0x80, s28, s12, $0xb8;
	[tilespmem:$0x1D000] =	vst v63  }
0x1cf: {  	_ = 	snop  }
0x1d0: {  	[spmem:s2] =	stream.indirect.scatter.add.f32 [tilespmem:s13], [sflag:$0x3], $0x80, s29, s12, $0xb8;
	[tilespmem:$0x1D000] =	vst v63  }
0x1d1: {  	_ =	swait.ge [sflag:s10], $0x3E80  }
0x1d2: {  	[sflag:s10] =	ssyncset.done $0x0  }
0x1d3: {  	[sflag:s10] =	ssyncadd.s32 $0xFFFFC180  }
0x1d4: {  	_ =	swait.ge [sflag:s15], $0x3E80  }
0x1d5: {  	[sflag:s15] =	ssyncset.done $0x0  }
0x1d6: {  	[sflag:s15] =	ssyncadd.s32 $0xFFFFC180  }
0x1d7: {  	[tilespmem:s13], [sflag:$0x1] =	stream.indirect.gather [hbm4b:s4+s12], $0x80, s30, s12, $0xb8;
	[tilespmem:$0x1D000] =	vst v63  }
0x1d8: {  	_ = 	snop  }
0x1d9: {  	[spmem:s2] =	stream.indirect.scatter.add.f32 [tilespmem:s14], [sflag:$0x3], $0x80, s31, s12, $0xb8;
	[tilespmem:$0x1D000] =	vst v63  }
0x1da: {  	_ =	swait.ge [sflag:s10], $0x3E80  }
0x1db: {  	[sflag:s10] =	ssyncset.done $0x0  }
0x1dc: {  	[sflag:s10] =	ssyncadd.s32 $0xFFFFC180  }
0x1dd: {  	_ =	swait.ge [sflag:s9], $0x3E80  }
0x1de: {  	[sflag:s9] =	ssyncset.done $0x0  }
0x1df: {  	[sflag:s9] =	ssyncadd.s32 $0xFFFFC180  }
0x1e0: {  	[tilespmem:s14], [sflag:$0x2] =	stream.indirect.gather [hbm4b:s4+s12], $0x80, s0, s12, $0xb8;
	[tilespmem:$0x1D000] =	vst v63  }
0x1e1: {  	_ = 	snop  }
0x1e2: {  	[spmem:s2] =	stream.indirect.scatter.add.f32 [tilespmem:s13], [sflag:$0x3], $0x80, s1, s12, $0xb8;
	[tilespmem:$0x1D000] =	vst v63  }
0x1e3: {  	_ =	swait.ge [sflag:s10], $0x3E80  }
0x1e4: {  	[sflag:s10] =	ssyncset.done $0x0  }
0x1e5: {  	[sflag:s10] =	ssyncadd.s32 $0xFFFFC180  }
0x1e6: {  	_ =	swait.ge [sflag:s15], $0x3E80  }
0x1e7: {  	[sflag:s15] =	ssyncset.done $0x0  }
0x1e8: {  	[sflag:s15] =	ssyncadd.s32 $0xFFFFC180  }
0x1e9: {  	[spmem:s2] =	stream.indirect.scatter.add.f32 [tilespmem:s14], [sflag:$0x3], $0x80, s5, s12, $0xb8;
	[tilespmem:$0x1D000] =	vst v63  }
0x1ea: {  	_ =	swait.ge [sflag:s10], $0x3E80  }
0x1eb: {  	[sflag:s10] =	ssyncset.done $0x0  }
0x1ec: {  	[sflag:s10] =	ssyncadd.s32 $0xFFFFC180  }
0x1ed: {  	[bflag:$0x0] =	sbarrier.arrive $0xFFFF  }
0x1ee: {  	s8 =	rddreg [dreg:$0x13]  }
0x1ef: {  	s24 =	rddreg [dreg:$0x15]  }
0x1f0: {  	s7 =	rddreg [dreg:$0x16]  }
0x1f1: {  	[hbm:s7], [sflag:s8] =	dma.local [spmem:s24], $0x2800  }
0x1f2: {  	_ =	swait.ge [sflag:s9], $0x2800  }
0x1f3: {  	s6 =	rddreg [dreg:$0x17]  }
0x1f4: {  	s7 =	sadd.s32 $0x1, s6;
	s6 =	rddreg [dreg:$0x14]  }
0x1f5: {  	p0 =	sne.s32 s7, s6  }
.Ltmp1:
0x1f6: {  	_ = 	snop;
	(pc) =	sbr.rel @p0 .LBB2_1-.Ltmp1, $3  }
0x1f7: {  	_ =	sdelay $0x1  }
0x1f8: {  	[sflag:s9] =	ssyncset.done $0x0  }
0x1f9: {  	[sflag:s9] =	ssyncadd.s32 $0xFFFFD800  }
0x1fa: {  	_ =	sfence.sel $0x180000  }
0x1fb: {  	[bflag:$0x0] =	sbarrier.arrive $0xFFFF  }
0x1fc: {  	_ =	strace $0x9000004A  }
0x1fd: {  	s0 =	stileid.u32;
	[bflag:$0x2] =	sbarrier.arrive $0xFFFF  }
0x1fe: {  	p0 =	sne.s32 s0, $0x0;
	s0 =	rddreg [dreg:$0x2]  }
0x1ff: {  	s0 =	sadd.s32 @!p0 $0x100000, s0  }
0x200: {  	[sflag:s0] =	ssyncadd.tile.s32 @!p0 $0x1;
	_ =	shalt  }
.Lfunc_end2:
_tile_overlayer_lowered:
.L_overlay_start_2:
0x201: {  	(tag) =	ssettag $0x2  }
0x202: {  	s0 =	rddreg [dreg:$0x0];
	s2 =	stileid.u32  }
0x203: {  	s1 =	rddreg [dreg:$0x1];
	p0 =	sne.s32 s2, $0x0  }
0x204: {  	s3 =	rddreg [dreg:$0x2];
	[bflag:$0x3] =	sbarrier.arrive $0xFFFF;
	s2 =	simm.s32 @!p0 $0x1C01  }
0x205: {  	[timem:s3], [sflag:s2] =	dma.local @!p0 [hbm:s0], s1  }
0x206: {  	s0 =	simm.s32 @!p0 $0x1  }
0x207: {  	_ =	swait.ge @!p0 [sflag:s0], s1  }
0x208: {  	s1 =	ssub.s32 @!p0 $0x0, s1;
	[sflag:s0] =	ssyncset.done @!p0 $0x0  }
0x209: {  	[sflag:s0] =	ssyncadd.s32 @!p0 s1  }
0x20a: {  	[bflag:$0x3] =	sbarrier.arrive $0xFFFF  }
0x20b: {  	_ =	shalt  }

</sc_bundles>
